<compile_context>
chip_gen: v7x
topology: tpu7x:2x2x1
jax: 0.10.2.dev20260603
libtpu: 0.0.44.dev20260713+nightly
codegen_flags: <defaults>
</compile_context>

<pallas_src>
import jax
import jax.numpy as jnp
from jax import lax
from jax.experimental import pallas as pl
from jax.experimental.pallas import tpu as pltpu
from jax.experimental.pallas import tpu_sc as plsc

_B = 16
_ROW = 2048
_N = _B * _ROW
_NC = 2
_NS = 16
_L = 16
_NW = _NC * _NS

_SC_SEGS = 8
_TC_SEGS = _B - _SC_SEGS
_CHUNK = _ROW * _SC_SEGS // _NW
_ITERS = _CHUNK // _L

_LN2 = 0.6931471805599453
_SQRT2 = 1.4142135623730951

_GATHER_DNUMS = lax.GatherDimensionNumbers(
    offset_dims=(), collapsed_slice_dims=(0,), start_index_map=(0,))


def _dyn_gather(x, idx):
    return lax.gather(x, idx[:, None], _GATHER_DNUMS, slice_sizes=(1,),
                      mode=lax.GatherScatterMode.PROMISE_IN_BOUNDS)


def _softlog(p):
    bits = lax.bitcast_convert_type(p, jnp.int32)
    e = (bits >> 23) - 127
    m = lax.bitcast_convert_type(
        (bits & jnp.int32(0x007FFFFF)) | jnp.int32(0x3F800000), jnp.float32)
    big = m > _SQRT2
    m = jnp.where(big, m * 0.5, m)
    ef = e.astype(jnp.float32) + jnp.where(big, 1.0, 0.0)
    t = (m - 1.0) / (m + 1.0)
    t2 = t * t
    poly = 1.0 + t2 * (1.0 / 3.0 + t2 * (0.2 + t2 * (1.0 / 7.0 + t2 * (1.0 / 9.0))))
    return ef * _LN2 + 2.0 * t * poly


def _lane_total(x):
    lane = lax.broadcasted_iota(jnp.int32, (_L,), 0)
    for k in (8, 4, 2, 1):
        x = x + _dyn_gather(x, lane ^ k)
    return x


def _sin_poly(x):
    x2 = x * x
    return x * (1.0 + x2 * (-1.0 / 6.0 + x2 * (1.0 / 120.0
                + x2 * (-1.0 / 5040.0 + x2 * (1.0 / 362880.0)))))


def _sc_body(up_hbm, uo_hbm, h_hbm, lam_hbm, th_hbm, part_hbm,
             data_v, par_v, stage_v):
    c = lax.axis_index("c")
    s = lax.axis_index("s")
    w = c * _NS + s
    seg = lax.rem(w, _SC_SEGS)
    part = w // _SC_SEGS
    base = seg * _ROW + part * _CHUNK
    for k in range(3):
        pltpu.sync_copy(up_hbm.at[pl.ds(k * _N + base, _CHUNK)],
                        data_v.at[pl.ds(k * _CHUNK, _CHUNK)])
        pltpu.sync_copy(uo_hbm.at[pl.ds(k * _N + base, _CHUNK)],
                        data_v.at[pl.ds((3 + k) * _CHUNK, _CHUNK)])
    pltpu.sync_copy(h_hbm, par_v.at[pl.ds(0, _L)])
    pltpu.sync_copy(lam_hbm, par_v.at[pl.ds(_L, _L)])
    pltpu.sync_copy(th_hbm, par_v.at[pl.ds(2 * _L, _L)])

    segv = jnp.zeros((_L,), jnp.int32) + seg
    hv = _dyn_gather(par_v[pl.ds(0, _L)], segv)
    lamv = _dyn_gather(par_v[pl.ds(_L, _L)], segv)
    thv = _dyn_gather(par_v[pl.ds(2 * _L, _L)], segv)
    dist = 2.0 * _sin_poly(thv * (jnp.pi / 360.0))
    ts2 = dist * dist
    inv_ts2 = 1.0 / ts2
    neg_lam = -lamv
    coefA = hv * lamv / (1.0 - jnp.exp(neg_lam))
    pm1 = 1.0 - hv

    def body(i, carry):
        acc_ll, acc_hh = carry
        b = i * _L
        dx = data_v[pl.ds(b, _L)] - data_v[pl.ds(b + 3 * _CHUNK, _L)]
        dy = data_v[pl.ds(b + _CHUNK, _L)] - data_v[pl.ds(b + 4 * _CHUNK, _L)]
        dz = data_v[pl.ds(b + 2 * _CHUNK, _L)] - data_v[pl.ds(b + 5 * _CHUNK, _L)]
        s2 = dx * dx + dy * dy + dz * dz
        isc = s2 < ts2
        v = jnp.where(isc, s2 * inv_ts2, 0.0)
        p_hit = coefA * jnp.exp(neg_lam * v)
        p = p_hit + pm1
        acc_ll = acc_ll + jnp.where(isc, _softlog(p), 0.0)
        php = p_hit / p
        acc_hh = acc_hh + jnp.where(isc & (php > 0.95), php, 0.0)
        return acc_ll, acc_hh

    zero = jnp.zeros((_L,), jnp.float32)
    acc_ll, acc_hh = lax.fori_loop(0, _ITERS, body, (zero, zero))

    lane = lax.broadcasted_iota(jnp.int32, (_L,), 0)
    mask = lane == seg
    stage_v[0, :] = jnp.where(mask, _lane_total(acc_ll), 0.0)
    stage_v[1, :] = jnp.where(mask, _lane_total(acc_hh), 0.0)
    pltpu.sync_copy(stage_v, part_hbm.at[c, s])


def _tc_main(up_ref, uo_ref, h_ref, lam_ref, th_ref, ll_ref, hh_ref):
    du = up_ref[...] - uo_ref[...]
    s2 = jnp.sum(du * du, axis=0)
    thr = th_ref[...]
    ts2 = (2.0 * jnp.sin(thr * (jnp.pi / 180.0) * 0.5)) ** 2
    h = h_ref[...]
    lam = lam_ref[...]
    is_close = s2 < ts2
    v = jnp.where(is_close, s2 / ts2, 0.0)
    emlx = jnp.exp(-lam * v)
    p_hit = h * (emlx * lam / (1.0 - jnp.exp(-lam)))
    p = p_hit + (1.0 - h)
    log_p = jnp.where(is_close, jnp.log(p), 0.0)
    php = p_hit / p
    phf = jnp.where(is_close & (php > 0.95), php, 0.0)
    ll_ref[...] = jnp.sum(log_p, axis=1, keepdims=True)
    hh_ref[...] = jnp.sum(phf, axis=1, keepdims=True)


def _tc_combine(part_ref, out_ref):
    x = part_ref[...]
    y = jnp.sum(x, axis=(0, 1))
    out_ref[...] = y[:, 0:_SC_SEGS]


def kernel(u_pred, h, lam, u_obs, row_lengths, thresh_deg_score):
    del row_lengths

    upt = u_pred.T
    uot = u_obs.T

    sc = pl.kernel(
        _sc_body,
        mesh=plsc.VectorSubcoreMesh(core_axis_name="c", subcore_axis_name="s"),
        out_type=[jax.ShapeDtypeStruct((_NC, _NS, 2, _L), jnp.float32)],
        scratch_types=[
            pltpu.VMEM((6 * _CHUNK,), jnp.float32),
            pltpu.VMEM((3 * _L,), jnp.float32),
            pltpu.VMEM((2, _L), jnp.float32),
        ],
    )
    (partials,) = sc(upt.reshape(-1), uot.reshape(-1), h, lam,
                     thresh_deg_score)

    up3 = upt.reshape(3, _B, _ROW)[:, _SC_SEGS:, :]
    uo3 = uot.reshape(3, _B, _ROW)[:, _SC_SEGS:, :]
    ll_tc, hh_tc = pl.pallas_call(
        _tc_main,
        out_shape=[jax.ShapeDtypeStruct((_TC_SEGS, 1), jnp.float32)] * 2,
    )(up3, uo3, h[_SC_SEGS:, None], lam[_SC_SEGS:, None],
      thresh_deg_score[_SC_SEGS:, None])

    res = pl.pallas_call(
        _tc_combine,
        out_shape=jax.ShapeDtypeStruct((2, _SC_SEGS), jnp.float32),
    )(partials)

    log_like = jnp.concatenate([res[0, :], ll_tc[:, 0]])
    hits = jnp.concatenate([res[1, :], hh_tc[:, 0]])
    return (log_like, hits, hits)

# --- scband reference (transcript-rebuilt; emitter-appended) ---
"""Pipeline reference for scband-trajectory-score-58145267253396 (READ-ONLY COPY).

The authoritative reference and input builder live on the scoring server;
editing this copy changes nothing except your own understanding.
"""

import jax, jax.numpy as jnp
import numpy as np

B = 16
ROW = 2048
N = B * ROW
SD = 3

def deg2dist(deg):
    # convert an angular threshold in degrees to a cartesian chord distance on the unit sphere
    return 2.0 * jnp.sin(jnp.deg2rad(deg) / 2.0)

def setup_inputs(seed: int = 0) -> dict:
    key = jax.random.key(seed)
    k1, k2, k3, k4 = jax.random.split(key, 4)
    u_obs = jax.random.normal(k1, (N, SD), dtype=jnp.float32)
    u_obs = u_obs / jnp.linalg.norm(u_obs, axis=-1, keepdims=True)
    noise = 0.02 * jax.random.normal(k2, (N, SD), dtype=jnp.float32)
    u_pred = u_obs + noise
    u_pred = u_pred / jnp.linalg.norm(u_pred, axis=-1, keepdims=True)
    h = jax.random.uniform(k3, (B,), minval=0.5, maxval=0.9, dtype=jnp.float32)
    lam = jax.random.uniform(k4, (B,), minval=1.0, maxval=10.0, dtype=jnp.float32)
    row_lengths = jnp.full((B,), ROW, dtype=jnp.int32)
    thresh_deg_score = jnp.full((B,), 10.0, dtype=jnp.float32)
    return {"u_pred": u_pred, "h": h, "lam": lam, "u_obs": u_obs,
            "row_lengths": row_lengths, "thresh_deg_score": thresh_deg_score}

def reference(u_pred, h, lam, u_obs, row_lengths, thresh_deg_score):
    # constants derived at __init__ time in the original layer
    thresh_s2_elt = deg2dist(thresh_deg_score) ** 2
    thresh_s2 = jnp.repeat(thresh_s2_elt, row_lengths, total_repeat_length=N)
    seg = jnp.repeat(jnp.arange(B, dtype=jnp.int32), row_lengths, total_repeat_length=N)
    # forward
    du = u_pred - u_obs
    s2 = jnp.sum(du * du, axis=-1)
    is_close = s2 < thresh_s2
    # dense-masked equivalent of tf.boolean_mask + ragged regroup: excluded
    # entries contribute exactly 0 to every segment reduction, matching the
    # original's boolean_mask -> RaggedTensor.from_row_lengths(row_lengths_close) math.
    v = jnp.where(is_close, s2 / thresh_s2, 0.0)
    h_vec = jnp.repeat(h, row_lengths, total_repeat_length=N)
    lam_vec = jnp.repeat(lam, row_lengths, total_repeat_length=N)
    emlx = jnp.exp(-lam_vec * v)
    p_hit_cond = emlx * lam_vec / (1.0 - jnp.exp(-lam_vec))
    p_hit = h_vec * p_hit_cond
    p_miss = 1.0 - h_vec
    p = p_hit + p_miss
    log_p = jnp.where(is_close, jnp.log(p), 0.0)
    p_hit_post = p_hit / p
    is_real_hit = jnp.logical_and(is_close, p_hit_post > 0.95)
    p_hit_filtered = jnp.where(is_real_hit, p_hit_post, 0.0)
    log_like = jax.ops.segment_sum(log_p, seg, num_segments=B)
    hits = jax.ops.segment_sum(p_hit_filtered, seg, num_segments=B)
    hits_raw = jax.ops.segment_sum(p_hit_filtered, seg, num_segments=B)
    return (log_like, hits, hits_raw)

if __name__ == "__main__":
    import jax
    _d = setup_inputs()
    print(jax.jit(kernel)(*tuple(_d.values())))

</pallas_src>

<mosaic_0001>
#map = affine_map<(d0, d1) -> (0)>
#map1 = affine_map<(d0, d1) -> (0, 0, 0, 0)>
module attributes {stable_mosaic.version = 14 : i64} {
  func.func @_sc_body(%arg0: i32, %arg1: i32, %arg2: memref<98304xf32, #tpu.memory_space<hbm>>, %arg3: memref<98304xf32, #tpu.memory_space<hbm>>, %arg4: memref<16xf32, #tpu.memory_space<hbm>>, %arg5: memref<16xf32, #tpu.memory_space<hbm>>, %arg6: memref<16xf32, #tpu.memory_space<hbm>>, %arg7: memref<2x16x2x16xf32, #tpu.memory_space<hbm>>, %arg8: memref<3072xf32, #tpu.memory_space<vmem>>, %arg9: memref<48xf32, #tpu.memory_space<vmem>>, %arg10: memref<2x16xf32, #tpu.memory_space<vmem>>) attributes {dimension_semantics = [#tpu.dimension_semantics<core_parallel>, #tpu.dimension_semantics<subcore_parallel>], iteration_bounds = array<i64: 2, 16>, scalar_prefetch = 0 : i64, scratch_operands = 3 : i64, tpu.core_type = #tpu.core_type<sc_vector_subcore>, window_params = [{transform_indices = #map}, {transform_indices = #map}, {transform_indices = #map}, {transform_indices = #map}, {transform_indices = #map}, {transform_indices = #map1}]} {
    %mul3A = arith.constant 16 : i32
    %mul3A_0 = arith.muli %arg0, %mul3A : i32
    %add3A = arith.addi %mul3A_0, %arg1 : i32
    %rem3A = arith.constant 8 : i32
    %rem3A_1 = arith.remsi %add3A, %rem3A : i32
    %jit3A = arith.constant 8 : i32
    %div3A = arith.divsi %add3A, %jit3A : i32
    %sign3A = arith.constant 0 : i32
    %sign3A_2 = arith.cmpi sgt, %add3A, %sign3A : i32
    %sign3A_3 = arith.extui %sign3A_2 : i1 to i32
    %sign3A_4 = arith.constant 0 : i32
    %sign3A_5 = arith.cmpi slt, %add3A, %sign3A_4 : i32
    %sign3A_6 = arith.extui %sign3A_5 : i1 to i32
    %sign3A_7 = arith.subi %sign3A_3, %sign3A_6 : i32
    %sign3A_8 = arith.constant 0 : i32
    %sign3A_9 = arith.cmpi sgt, %jit3A, %sign3A_8 : i32
    %sign3A_10 = arith.extui %sign3A_9 : i1 to i32
    %sign3A_11 = arith.constant 0 : i32
    %sign3A_12 = arith.cmpi slt, %jit3A, %sign3A_11 : i32
    %sign3A_13 = arith.extui %sign3A_12 : i1 to i32
    %sign3A_14 = arith.subi %sign3A_10, %sign3A_13 : i32
    %ne3A = arith.cmpi ne, %sign3A_7, %sign3A_14 : i32
    %rem3A_15 = arith.remsi %add3A, %jit3A : i32
    %ne3A_16 = arith.constant 0 : i32
    %ne3A_17 = arith.cmpi ne, %rem3A_15, %ne3A_16 : i32
    %and3A = arith.andi %ne3A, %ne3A_17 : i1
    %sub3A = arith.constant 1 : i32
    %sub3A_18 = arith.subi %div3A, %sub3A : i32
    %select_n3A = arith.select %and3A, %sub3A_18, %div3A : i32
    %mul3A_19 = arith.constant 2048 : i32
    %mul3A_20 = arith.muli %rem3A_1, %mul3A_19 : i32
    %mul3A_21 = arith.constant 512 : i32
    %mul3A_22 = arith.muli %select_n3A, %mul3A_21 : i32
    %add3A_23 = arith.addi %mul3A_20, %mul3A_22 : i32
    %add3A_24 = arith.constant 0 : i32
    %add3A_25 = arith.addi %add3A_24, %add3A_23 : i32
    "tpu.region"() ({
      %run_scoped3A = tpu.sem_alloc : memref<!tpu.dma_semaphore, #tpu.memory_space<semaphore_mem>>
      %dma_start3A = arith.constant 0 : i32
      %dma_start3A_177 = tpu.memref_slice %arg8[%dma_start3A] : memref<3072xf32, #tpu.memory_space<vmem>> -> memref<512xf32, #tpu.memory_space<vmem>>
      %dma_start3A_178 = tpu.memref_slice %arg2[%add3A_25] : memref<98304xf32, #tpu.memory_space<hbm>> -> memref<512xf32, #tpu.memory_space<hbm>>
      %dma_start3A_179 = arith.constant 0 : i32
      %dma_start3A_180 = tpu.memref_slice %arg8[%dma_start3A_179] : memref<3072xf32, #tpu.memory_space<vmem>> -> memref<512xf32, #tpu.memory_space<vmem>>
      %dma_start3A_181 = tpu.memref_slice %arg2[%add3A_25] : memref<98304xf32, #tpu.memory_space<hbm>> -> memref<512xf32, #tpu.memory_space<hbm>>
      tpu.enqueue_dma source(%dma_start3A_181 : memref<512xf32, #tpu.memory_space<hbm>>) target(%dma_start3A_180 : memref<512xf32, #tpu.memory_space<vmem>>) target_semaphore(%run_scoped3A : memref<!tpu.dma_semaphore, #tpu.memory_space<semaphore_mem>>)
      %dma_wait3A = arith.constant 0 : i32
      %dma_wait3A_182 = tpu.memref_slice %arg8[%dma_wait3A] : memref<3072xf32, #tpu.memory_space<vmem>> -> memref<512xf32, #tpu.memory_space<vmem>>
      %dma_wait3A_183 = tpu.memref_slice %arg2[%add3A_25] : memref<98304xf32, #tpu.memory_space<hbm>> -> memref<512xf32, #tpu.memory_space<hbm>>
      %dma_wait3A_184 = arith.constant 0 : i32
      %dma_wait3A_185 = tpu.memref_slice %arg8[%dma_wait3A_184] : memref<3072xf32, #tpu.memory_space<vmem>> -> memref<512xf32, #tpu.memory_space<vmem>>
      %dma_wait3A_186 = tpu.memref_slice %arg2[%add3A_25] : memref<98304xf32, #tpu.memory_space<hbm>> -> memref<512xf32, #tpu.memory_space<hbm>>
      tpu.wait_dma2 semaphore(%run_scoped3A : memref<!tpu.dma_semaphore, #tpu.memory_space<semaphore_mem>>) src(%dma_wait3A_186 : memref<512xf32, #tpu.memory_space<hbm>>) dst(%dma_wait3A_185 : memref<512xf32, #tpu.memory_space<vmem>>)
      tpu.yield
    }) : () -> ()
    %add3A_26 = arith.constant 0 : i32
    %add3A_27 = arith.addi %add3A_26, %add3A_23 : i32
    "tpu.region"() ({
      %run_scoped3A = tpu.sem_alloc : memref<!tpu.dma_semaphore, #tpu.memory_space<semaphore_mem>>
      %dma_start3A = arith.constant 1536 : i32
      %dma_start3A_177 = tpu.memref_slice %arg8[%dma_start3A] : memref<3072xf32, #tpu.memory_space<vmem>> -> memref<512xf32, #tpu.memory_space<vmem>>
      %dma_start3A_178 = tpu.memref_slice %arg3[%add3A_27] : memref<98304xf32, #tpu.memory_space<hbm>> -> memref<512xf32, #tpu.memory_space<hbm>>
      %dma_start3A_179 = arith.constant 1536 : i32
      %dma_start3A_180 = tpu.memref_slice %arg8[%dma_start3A_179] : memref<3072xf32, #tpu.memory_space<vmem>> -> memref<512xf32, #tpu.memory_space<vmem>>
      %dma_start3A_181 = tpu.memref_slice %arg3[%add3A_27] : memref<98304xf32, #tpu.memory_space<hbm>> -> memref<512xf32, #tpu.memory_space<hbm>>
      tpu.enqueue_dma source(%dma_start3A_181 : memref<512xf32, #tpu.memory_space<hbm>>) target(%dma_start3A_180 : memref<512xf32, #tpu.memory_space<vmem>>) target_semaphore(%run_scoped3A : memref<!tpu.dma_semaphore, #tpu.memory_space<semaphore_mem>>)
      %dma_wait3A = arith.constant 1536 : i32
      %dma_wait3A_182 = tpu.memref_slice %arg8[%dma_wait3A] : memref<3072xf32, #tpu.memory_space<vmem>> -> memref<512xf32, #tpu.memory_space<vmem>>
      %dma_wait3A_183 = tpu.memref_slice %arg3[%add3A_27] : memref<98304xf32, #tpu.memory_space<hbm>> -> memref<512xf32, #tpu.memory_space<hbm>>
      %dma_wait3A_184 = arith.constant 1536 : i32
      %dma_wait3A_185 = tpu.memref_slice %arg8[%dma_wait3A_184] : memref<3072xf32, #tpu.memory_space<vmem>> -> memref<512xf32, #tpu.memory_space<vmem>>
      %dma_wait3A_186 = tpu.memref_slice %arg3[%add3A_27] : memref<98304xf32, #tpu.memory_space<hbm>> -> memref<512xf32, #tpu.memory_space<hbm>>
      tpu.wait_dma2 semaphore(%run_scoped3A : memref<!tpu.dma_semaphore, #tpu.memory_space<semaphore_mem>>) src(%dma_wait3A_186 : memref<512xf32, #tpu.memory_space<hbm>>) dst(%dma_wait3A_185 : memref<512xf32, #tpu.memory_space<vmem>>)
      tpu.yield
    }) : () -> ()
    %add3A_28 = arith.constant 32768 : i32
    %add3A_29 = arith.addi %add3A_28, %add3A_23 : i32
    "tpu.region"() ({
      %run_scoped3A = tpu.sem_alloc : memref<!tpu.dma_semaphore, #tpu.memory_space<semaphore_mem>>
      %dma_start3A = arith.constant 512 : i32
      %dma_start3A_177 = tpu.memref_slice %arg8[%dma_start3A] : memref<3072xf32, #tpu.memory_space<vmem>> -> memref<512xf32, #tpu.memory_space<vmem>>
      %dma_start3A_178 = tpu.memref_slice %arg2[%add3A_29] : memref<98304xf32, #tpu.memory_space<hbm>> -> memref<512xf32, #tpu.memory_space<hbm>>
      %dma_start3A_179 = arith.constant 512 : i32
      %dma_start3A_180 = tpu.memref_slice %arg8[%dma_start3A_179] : memref<3072xf32, #tpu.memory_space<vmem>> -> memref<512xf32, #tpu.memory_space<vmem>>
      %dma_start3A_181 = tpu.memref_slice %arg2[%add3A_29] : memref<98304xf32, #tpu.memory_space<hbm>> -> memref<512xf32, #tpu.memory_space<hbm>>
      tpu.enqueue_dma source(%dma_start3A_181 : memref<512xf32, #tpu.memory_space<hbm>>) target(%dma_start3A_180 : memref<512xf32, #tpu.memory_space<vmem>>) target_semaphore(%run_scoped3A : memref<!tpu.dma_semaphore, #tpu.memory_space<semaphore_mem>>)
      %dma_wait3A = arith.constant 512 : i32
      %dma_wait3A_182 = tpu.memref_slice %arg8[%dma_wait3A] : memref<3072xf32, #tpu.memory_space<vmem>> -> memref<512xf32, #tpu.memory_space<vmem>>
      %dma_wait3A_183 = tpu.memref_slice %arg2[%add3A_29] : memref<98304xf32, #tpu.memory_space<hbm>> -> memref<512xf32, #tpu.memory_space<hbm>>
      %dma_wait3A_184 = arith.constant 512 : i32
      %dma_wait3A_185 = tpu.memref_slice %arg8[%dma_wait3A_184] : memref<3072xf32, #tpu.memory_space<vmem>> -> memref<512xf32, #tpu.memory_space<vmem>>
      %dma_wait3A_186 = tpu.memref_slice %arg2[%add3A_29] : memref<98304xf32, #tpu.memory_space<hbm>> -> memref<512xf32, #tpu.memory_space<hbm>>
      tpu.wait_dma2 semaphore(%run_scoped3A : memref<!tpu.dma_semaphore, #tpu.memory_space<semaphore_mem>>) src(%dma_wait3A_186 : memref<512xf32, #tpu.memory_space<hbm>>) dst(%dma_wait3A_185 : memref<512xf32, #tpu.memory_space<vmem>>)
      tpu.yield
    }) : () -> ()
    %add3A_30 = arith.constant 32768 : i32
    %add3A_31 = arith.addi %add3A_30, %add3A_23 : i32
    "tpu.region"() ({
      %run_scoped3A = tpu.sem_alloc : memref<!tpu.dma_semaphore, #tpu.memory_space<semaphore_mem>>
      %dma_start3A = arith.constant 2048 : i32
      %dma_start3A_177 = tpu.memref_slice %arg8[%dma_start3A] : memref<3072xf32, #tpu.memory_space<vmem>> -> memref<512xf32, #tpu.memory_space<vmem>>
      %dma_start3A_178 = tpu.memref_slice %arg3[%add3A_31] : memref<98304xf32, #tpu.memory_space<hbm>> -> memref<512xf32, #tpu.memory_space<hbm>>
      %dma_start3A_179 = arith.constant 2048 : i32
      %dma_start3A_180 = tpu.memref_slice %arg8[%dma_start3A_179] : memref<3072xf32, #tpu.memory_space<vmem>> -> memref<512xf32, #tpu.memory_space<vmem>>
      %dma_start3A_181 = tpu.memref_slice %arg3[%add3A_31] : memref<98304xf32, #tpu.memory_space<hbm>> -> memref<512xf32, #tpu.memory_space<hbm>>
      tpu.enqueue_dma source(%dma_start3A_181 : memref<512xf32, #tpu.memory_space<hbm>>) target(%dma_start3A_180 : memref<512xf32, #tpu.memory_space<vmem>>) target_semaphore(%run_scoped3A : memref<!tpu.dma_semaphore, #tpu.memory_space<semaphore_mem>>)
      %dma_wait3A = arith.constant 2048 : i32
      %dma_wait3A_182 = tpu.memref_slice %arg8[%dma_wait3A] : memref<3072xf32, #tpu.memory_space<vmem>> -> memref<512xf32, #tpu.memory_space<vmem>>
      %dma_wait3A_183 = tpu.memref_slice %arg3[%add3A_31] : memref<98304xf32, #tpu.memory_space<hbm>> -> memref<512xf32, #tpu.memory_space<hbm>>
      %dma_wait3A_184 = arith.constant 2048 : i32
      %dma_wait3A_185 = tpu.memref_slice %arg8[%dma_wait3A_184] : memref<3072xf32, #tpu.memory_space<vmem>> -> memref<512xf32, #tpu.memory_space<vmem>>
      %dma_wait3A_186 = tpu.memref_slice %arg3[%add3A_31] : memref<98304xf32, #tpu.memory_space<hbm>> -> memref<512xf32, #tpu.memory_space<hbm>>
      tpu.wait_dma2 semaphore(%run_scoped3A : memref<!tpu.dma_semaphore, #tpu.memory_space<semaphore_mem>>) src(%dma_wait3A_186 : memref<512xf32, #tpu.memory_space<hbm>>) dst(%dma_wait3A_185 : memref<512xf32, #tpu.memory_space<vmem>>)
      tpu.yield
    }) : () -> ()
    %add3A_32 = arith.constant 65536 : i32
    %add3A_33 = arith.addi %add3A_32, %add3A_23 : i32
    "tpu.region"() ({
      %run_scoped3A = tpu.sem_alloc : memref<!tpu.dma_semaphore, #tpu.memory_space<semaphore_mem>>
      %dma_start3A = arith.constant 1024 : i32
      %dma_start3A_177 = tpu.memref_slice %arg8[%dma_start3A] : memref<3072xf32, #tpu.memory_space<vmem>> -> memref<512xf32, #tpu.memory_space<vmem>>
      %dma_start3A_178 = tpu.memref_slice %arg2[%add3A_33] : memref<98304xf32, #tpu.memory_space<hbm>> -> memref<512xf32, #tpu.memory_space<hbm>>
      %dma_start3A_179 = arith.constant 1024 : i32
      %dma_start3A_180 = tpu.memref_slice %arg8[%dma_start3A_179] : memref<3072xf32, #tpu.memory_space<vmem>> -> memref<512xf32, #tpu.memory_space<vmem>>
      %dma_start3A_181 = tpu.memref_slice %arg2[%add3A_33] : memref<98304xf32, #tpu.memory_space<hbm>> -> memref<512xf32, #tpu.memory_space<hbm>>
      tpu.enqueue_dma source(%dma_start3A_181 : memref<512xf32, #tpu.memory_space<hbm>>) target(%dma_start3A_180 : memref<512xf32, #tpu.memory_space<vmem>>) target_semaphore(%run_scoped3A : memref<!tpu.dma_semaphore, #tpu.memory_space<semaphore_mem>>)
      %dma_wait3A = arith.constant 1024 : i32
      %dma_wait3A_182 = tpu.memref_slice %arg8[%dma_wait3A] : memref<3072xf32, #tpu.memory_space<vmem>> -> memref<512xf32, #tpu.memory_space<vmem>>
      %dma_wait3A_183 = tpu.memref_slice %arg2[%add3A_33] : memref<98304xf32, #tpu.memory_space<hbm>> -> memref<512xf32, #tpu.memory_space<hbm>>
      %dma_wait3A_184 = arith.constant 1024 : i32
      %dma_wait3A_185 = tpu.memref_slice %arg8[%dma_wait3A_184] : memref<3072xf32, #tpu.memory_space<vmem>> -> memref<512xf32, #tpu.memory_space<vmem>>
      %dma_wait3A_186 = tpu.memref_slice %arg2[%add3A_33] : memref<98304xf32, #tpu.memory_space<hbm>> -> memref<512xf32, #tpu.memory_space<hbm>>
      tpu.wait_dma2 semaphore(%run_scoped3A : memref<!tpu.dma_semaphore, #tpu.memory_space<semaphore_mem>>) src(%dma_wait3A_186 : memref<512xf32, #tpu.memory_space<hbm>>) dst(%dma_wait3A_185 : memref<512xf32, #tpu.memory_space<vmem>>)
      tpu.yield
    }) : () -> ()
    %add3A_34 = arith.constant 65536 : i32
    %add3A_35 = arith.addi %add3A_34, %add3A_23 : i32
    "tpu.region"() ({
      %run_scoped3A = tpu.sem_alloc : memref<!tpu.dma_semaphore, #tpu.memory_space<semaphore_mem>>
      %dma_start3A = arith.constant 2560 : i32
      %dma_start3A_177 = tpu.memref_slice %arg8[%dma_start3A] : memref<3072xf32, #tpu.memory_space<vmem>> -> memref<512xf32, #tpu.memory_space<vmem>>
      %dma_start3A_178 = tpu.memref_slice %arg3[%add3A_35] : memref<98304xf32, #tpu.memory_space<hbm>> -> memref<512xf32, #tpu.memory_space<hbm>>
      %dma_start3A_179 = arith.constant 2560 : i32
      %dma_start3A_180 = tpu.memref_slice %arg8[%dma_start3A_179] : memref<3072xf32, #tpu.memory_space<vmem>> -> memref<512xf32, #tpu.memory_space<vmem>>
      %dma_start3A_181 = tpu.memref_slice %arg3[%add3A_35] : memref<98304xf32, #tpu.memory_space<hbm>> -> memref<512xf32, #tpu.memory_space<hbm>>
      tpu.enqueue_dma source(%dma_start3A_181 : memref<512xf32, #tpu.memory_space<hbm>>) target(%dma_start3A_180 : memref<512xf32, #tpu.memory_space<vmem>>) target_semaphore(%run_scoped3A : memref<!tpu.dma_semaphore, #tpu.memory_space<semaphore_mem>>)
      %dma_wait3A = arith.constant 2560 : i32
      %dma_wait3A_182 = tpu.memref_slice %arg8[%dma_wait3A] : memref<3072xf32, #tpu.memory_space<vmem>> -> memref<512xf32, #tpu.memory_space<vmem>>
      %dma_wait3A_183 = tpu.memref_slice %arg3[%add3A_35] : memref<98304xf32, #tpu.memory_space<hbm>> -> memref<512xf32, #tpu.memory_space<hbm>>
      %dma_wait3A_184 = arith.constant 2560 : i32
      %dma_wait3A_185 = tpu.memref_slice %arg8[%dma_wait3A_184] : memref<3072xf32, #tpu.memory_space<vmem>> -> memref<512xf32, #tpu.memory_space<vmem>>
      %dma_wait3A_186 = tpu.memref_slice %arg3[%add3A_35] : memref<98304xf32, #tpu.memory_space<hbm>> -> memref<512xf32, #tpu.memory_space<hbm>>
      tpu.wait_dma2 semaphore(%run_scoped3A : memref<!tpu.dma_semaphore, #tpu.memory_space<semaphore_mem>>) src(%dma_wait3A_186 : memref<512xf32, #tpu.memory_space<hbm>>) dst(%dma_wait3A_185 : memref<512xf32, #tpu.memory_space<vmem>>)
      tpu.yield
    }) : () -> ()
    "tpu.region"() ({
      %run_scoped3A = tpu.sem_alloc : memref<!tpu.dma_semaphore, #tpu.memory_space<semaphore_mem>>
      %dma_start3A = arith.constant 0 : i32
      %dma_start3A_177 = tpu.memref_slice %arg9[%dma_start3A] : memref<48xf32, #tpu.memory_space<vmem>> -> memref<16xf32, #tpu.memory_space<vmem>>
      %dma_start3A_178 = arith.constant 0 : i32
      %dma_start3A_179 = tpu.memref_slice %arg9[%dma_start3A_178] : memref<48xf32, #tpu.memory_space<vmem>> -> memref<16xf32, #tpu.memory_space<vmem>>
      tpu.enqueue_dma source(%arg4 : memref<16xf32, #tpu.memory_space<hbm>>) target(%dma_start3A_179 : memref<16xf32, #tpu.memory_space<vmem>>) target_semaphore(%run_scoped3A : memref<!tpu.dma_semaphore, #tpu.memory_space<semaphore_mem>>)
      %dma_wait3A = arith.constant 0 : i32
      %dma_wait3A_180 = tpu.memref_slice %arg9[%dma_wait3A] : memref<48xf32, #tpu.memory_space<vmem>> -> memref<16xf32, #tpu.memory_space<vmem>>
      %dma_wait3A_181 = arith.constant 0 : i32
      %dma_wait3A_182 = tpu.memref_slice %arg9[%dma_wait3A_181] : memref<48xf32, #tpu.memory_space<vmem>> -> memref<16xf32, #tpu.memory_space<vmem>>
      tpu.wait_dma2 semaphore(%run_scoped3A : memref<!tpu.dma_semaphore, #tpu.memory_space<semaphore_mem>>) src(%arg4 : memref<16xf32, #tpu.memory_space<hbm>>) dst(%dma_wait3A_182 : memref<16xf32, #tpu.memory_space<vmem>>)
      tpu.yield
    }) : () -> ()
    "tpu.region"() ({
      %run_scoped3A = tpu.sem_alloc : memref<!tpu.dma_semaphore, #tpu.memory_space<semaphore_mem>>
      %dma_start3A = arith.constant 16 : i32
      %dma_start3A_177 = tpu.memref_slice %arg9[%dma_start3A] : memref<48xf32, #tpu.memory_space<vmem>> -> memref<16xf32, #tpu.memory_space<vmem>>
      %dma_start3A_178 = arith.constant 16 : i32
      %dma_start3A_179 = tpu.memref_slice %arg9[%dma_start3A_178] : memref<48xf32, #tpu.memory_space<vmem>> -> memref<16xf32, #tpu.memory_space<vmem>>
      tpu.enqueue_dma source(%arg5 : memref<16xf32, #tpu.memory_space<hbm>>) target(%dma_start3A_179 : memref<16xf32, #tpu.memory_space<vmem>>) target_semaphore(%run_scoped3A : memref<!tpu.dma_semaphore, #tpu.memory_space<semaphore_mem>>)
      %dma_wait3A = arith.constant 16 : i32
      %dma_wait3A_180 = tpu.memref_slice %arg9[%dma_wait3A] : memref<48xf32, #tpu.memory_space<vmem>> -> memref<16xf32, #tpu.memory_space<vmem>>
      %dma_wait3A_181 = arith.constant 16 : i32
      %dma_wait3A_182 = tpu.memref_slice %arg9[%dma_wait3A_181] : memref<48xf32, #tpu.memory_space<vmem>> -> memref<16xf32, #tpu.memory_space<vmem>>
      tpu.wait_dma2 semaphore(%run_scoped3A : memref<!tpu.dma_semaphore, #tpu.memory_space<semaphore_mem>>) src(%arg5 : memref<16xf32, #tpu.memory_space<hbm>>) dst(%dma_wait3A_182 : memref<16xf32, #tpu.memory_space<vmem>>)
      tpu.yield
    }) : () -> ()
    "tpu.region"() ({
      %run_scoped3A = tpu.sem_alloc : memref<!tpu.dma_semaphore, #tpu.memory_space<semaphore_mem>>
      %dma_start3A = arith.constant 32 : i32
      %dma_start3A_177 = tpu.memref_slice %arg9[%dma_start3A] : memref<48xf32, #tpu.memory_space<vmem>> -> memref<16xf32, #tpu.memory_space<vmem>>
      %dma_start3A_178 = arith.constant 32 : i32
      %dma_start3A_179 = tpu.memref_slice %arg9[%dma_start3A_178] : memref<48xf32, #tpu.memory_space<vmem>> -> memref<16xf32, #tpu.memory_space<vmem>>
      tpu.enqueue_dma source(%arg6 : memref<16xf32, #tpu.memory_space<hbm>>) target(%dma_start3A_179 : memref<16xf32, #tpu.memory_space<vmem>>) target_semaphore(%run_scoped3A : memref<!tpu.dma_semaphore, #tpu.memory_space<semaphore_mem>>)
      %dma_wait3A = arith.constant 32 : i32
      %dma_wait3A_180 = tpu.memref_slice %arg9[%dma_wait3A] : memref<48xf32, #tpu.memory_space<vmem>> -> memref<16xf32, #tpu.memory_space<vmem>>
      %dma_wait3A_181 = arith.constant 32 : i32
      %dma_wait3A_182 = tpu.memref_slice %arg9[%dma_wait3A_181] : memref<48xf32, #tpu.memory_space<vmem>> -> memref<16xf32, #tpu.memory_space<vmem>>
      tpu.wait_dma2 semaphore(%run_scoped3A : memref<!tpu.dma_semaphore, #tpu.memory_space<semaphore_mem>>) src(%arg6 : memref<16xf32, #tpu.memory_space<hbm>>) dst(%dma_wait3A_182 : memref<16xf32, #tpu.memory_space<vmem>>)
      tpu.yield
    }) : () -> ()
    %broadcast_in_dim3A = arith.constant 0 : i32
    %broadcast_in_dim3A_36 = vector.broadcast %broadcast_in_dim3A : i32 to vector<16xi32>
    %add3A_37 = vector.broadcast %rem3A_1 : i32 to vector<16xi32>
    %add3A_38 = arith.addi %broadcast_in_dim3A_36, %add3A_37 : vector<16xi32>
    %get3A = arith.constant 0 : index
    %get3A_39 = tpu.vector_load %arg9[%get3A] {strides = array<i32>} : memref<48xf32, #tpu.memory_space<vmem>>, vector<16xf32>,
    %get3A_40 = vector.shape_cast %get3A_39 : vector<16xf32> to vector<16xf32>
    %broadcast_in_dim3A_41 = vector.shape_cast %add3A_38 : vector<16xi32> to vector<16x1xi32>
    %gather3A = vector.shape_cast %broadcast_in_dim3A_41 : vector<16x1xi32> to vector<16xi32>
    %gather3A_42 = tpu.dynamic_gather %get3A_40[%gather3A] in [0] : vector<16xf32>, vector<16xi32> -> vector<16xf32>
    %get3A_43 = arith.constant 16 : index
    %get3A_44 = tpu.vector_load %arg9[%get3A_43] {strides = array<i32>} : memref<48xf32, #tpu.memory_space<vmem>>, vector<16xf32>,
    %get3A_45 = vector.shape_cast %get3A_44 : vector<16xf32> to vector<16xf32>
    %broadcast_in_dim3A_46 = vector.shape_cast %add3A_38 : vector<16xi32> to vector<16x1xi32>
    %gather3A_47 = vector.shape_cast %broadcast_in_dim3A_46 : vector<16x1xi32> to vector<16xi32>
    %gather3A_48 = tpu.dynamic_gather %get3A_45[%gather3A_47] in [0] : vector<16xf32>, vector<16xi32> -> vector<16xf32>
    %get3A_49 = arith.constant 32 : index
    %get3A_50 = tpu.vector_load %arg9[%get3A_49] {strides = array<i32>} : memref<48xf32, #tpu.memory_space<vmem>>, vector<16xf32>,
    %get3A_51 = vector.shape_cast %get3A_50 : vector<16xf32> to vector<16xf32>
    %broadcast_in_dim3A_52 = vector.shape_cast %add3A_38 : vector<16xi32> to vector<16x1xi32>
    %gather3A_53 = vector.shape_cast %broadcast_in_dim3A_52 : vector<16x1xi32> to vector<16xi32>
    %gather3A_54 = tpu.dynamic_gather %get3A_51[%gather3A_53] in [0] : vector<16xf32>, vector<16xi32> -> vector<16xf32>
    %mul3A_55 = arith.constant 0.00872664619 : f32
    %mul3A_56 = vector.broadcast %mul3A_55 : f32 to vector<16xf32>
    %mul3A_57 = arith.mulf %gather3A_54, %mul3A_56 : vector<16xf32>
    %mul3A_58 = arith.mulf %mul3A_57, %mul3A_57 : vector<16xf32>
    %mul3A_59 = arith.constant 2.75573188E-6 : f32
    %mul3A_60 = vector.broadcast %mul3A_59 : f32 to vector<16xf32>
    %mul3A_61 = arith.mulf %mul3A_58, %mul3A_60 : vector<16xf32>
    %add3A_62 = arith.constant -1.98412701E-4 : f32
    %add3A_63 = vector.broadcast %add3A_62 : f32 to vector<16xf32>
    %add3A_64 = arith.addf %add3A_63, %mul3A_61 : vector<16xf32>
    %mul3A_65 = arith.mulf %mul3A_58, %add3A_64 : vector<16xf32>
    %add3A_66 = arith.constant 0.00833333377 : f32
    %add3A_67 = vector.broadcast %add3A_66 : f32 to vector<16xf32>
    %add3A_68 = arith.addf %add3A_67, %mul3A_65 : vector<16xf32>
    %mul3A_69 = arith.mulf %mul3A_58, %add3A_68 : vector<16xf32>
    %add3A_70 = arith.constant -0.166666672 : f32
    %add3A_71 = vector.broadcast %add3A_70 : f32 to vector<16xf32>
    %add3A_72 = arith.addf %add3A_71, %mul3A_69 : vector<16xf32>
    %mul3A_73 = arith.mulf %mul3A_58, %add3A_72 : vector<16xf32>
    %add3A_74 = arith.constant 1.000000e+00 : f32
    %add3A_75 = vector.broadcast %add3A_74 : f32 to vector<16xf32>
    %add3A_76 = arith.addf %add3A_75, %mul3A_73 : vector<16xf32>
    %mul3A_77 = arith.mulf %mul3A_57, %add3A_76 : vector<16xf32>
    %mul3A_78 = arith.constant 2.000000e+00 : f32
    %mul3A_79 = vector.broadcast %mul3A_78 : f32 to vector<16xf32>
    %mul3A_80 = arith.mulf %mul3A_79, %mul3A_77 : vector<16xf32>
    %mul3A_81 = arith.mulf %mul3A_80, %mul3A_80 : vector<16xf32>
    %div3A_82 = arith.constant 1.000000e+00 : f32
    %div3A_83 = vector.broadcast %div3A_82 : f32 to vector<16xf32>
    %div3A_84 = arith.divf %div3A_83, %mul3A_81 : vector<16xf32>
    %neg3A = arith.constant 0.000000e+00 : f32
    %neg3A_85 = vector.broadcast %neg3A : f32 to vector<16xf32>
    %neg3A_86 = arith.subf %neg3A_85, %gather3A_48 : vector<16xf32>
    %mul3A_87 = arith.mulf %gather3A_42, %gather3A_48 : vector<16xf32>
    %exp3A = math.exp %neg3A_86 : vector<16xf32>
    %sub3A_88 = arith.constant 1.000000e+00 : f32
    %sub3A_89 = vector.broadcast %sub3A_88 : f32 to vector<16xf32>
    %sub3A_90 = arith.subf %sub3A_89, %exp3A : vector<16xf32>
    %div3A_91 = arith.divf %mul3A_87, %sub3A_90 : vector<16xf32>
    %sub3A_92 = arith.constant 1.000000e+00 : f32
    %sub3A_93 = vector.broadcast %sub3A_92 : f32 to vector<16xf32>
    %sub3A_94 = arith.subf %sub3A_93, %gather3A_42 : vector<16xf32>
    %broadcast_in_dim3A_95 = arith.constant 0.000000e+00 : f32
    %broadcast_in_dim3A_96 = vector.broadcast %broadcast_in_dim3A_95 : f32 to vector<16xf32>
    %scan3A = arith.constant 0 : i32
    %scan3A_97 = arith.constant 32 : i32
    %scan3A_98 = arith.addi %scan3A, %scan3A_97 : i32
    %scan3A_99 = arith.constant 1 : i32
    %scan3A_100:2 = scf.for %scan3A_177 = %scan3A to %scan3A_98 step %scan3A_99 iter_args(%scan3A_178 = %broadcast_in_dim3A_96, %scan3A_179 = %broadcast_in_dim3A_96) -> (vector<16xf32>, vector<16xf32>)  : i32 {
      %mul3A_180 = arith.constant 16 : i32
      %mul3A_181 = arith.muli %scan3A_177, %mul3A_180 : i32
      %get3A_182 = arith.index_cast %mul3A_181 : i32 to index
      %get3A_183 = tpu.vector_load %arg8[%get3A_182] {strides = array<i32>} : memref<3072xf32, #tpu.memory_space<vmem>>, vector<16xf32>,
      %get3A_184 = vector.shape_cast %get3A_183 : vector<16xf32> to vector<16xf32>
      %add3A_185 = arith.constant 1536 : i32
      %add3A_186 = arith.addi %mul3A_181, %add3A_185 : i32
      %get3A_187 = arith.index_cast %add3A_186 : i32 to index
      %get3A_188 = tpu.vector_load %arg8[%get3A_187] {strides = array<i32>} : memref<3072xf32, #tpu.memory_space<vmem>>, vector<16xf32>,
      %get3A_189 = vector.shape_cast %get3A_188 : vector<16xf32> to vector<16xf32>
      %sub3A_190 = arith.subf %get3A_184, %get3A_189 : vector<16xf32>
      %add3A_191 = arith.constant 512 : i32
      %add3A_192 = arith.addi %mul3A_181, %add3A_191 : i32
      %get3A_193 = arith.index_cast %add3A_192 : i32 to index
      %get3A_194 = tpu.vector_load %arg8[%get3A_193] {strides = array<i32>} : memref<3072xf32, #tpu.memory_space<vmem>>, vector<16xf32>,
      %get3A_195 = vector.shape_cast %get3A_194 : vector<16xf32> to vector<16xf32>
      %add3A_196 = arith.constant 2048 : i32
      %add3A_197 = arith.addi %mul3A_181, %add3A_196 : i32
      %get3A_198 = arith.index_cast %add3A_197 : i32 to index
      %get3A_199 = tpu.vector_load %arg8[%get3A_198] {strides = array<i32>} : memref<3072xf32, #tpu.memory_space<vmem>>, vector<16xf32>,
      %get3A_200 = vector.shape_cast %get3A_199 : vector<16xf32> to vector<16xf32>
      %sub3A_201 = arith.subf %get3A_195, %get3A_200 : vector<16xf32>
      %add3A_202 = arith.constant 1024 : i32
      %add3A_203 = arith.addi %mul3A_181, %add3A_202 : i32
      %get3A_204 = arith.index_cast %add3A_203 : i32 to index
      %get3A_205 = tpu.vector_load %arg8[%get3A_204] {strides = array<i32>} : memref<3072xf32, #tpu.memory_space<vmem>>, vector<16xf32>,
      %get3A_206 = vector.shape_cast %get3A_205 : vector<16xf32> to vector<16xf32>
      %add3A_207 = arith.constant 2560 : i32
      %add3A_208 = arith.addi %mul3A_181, %add3A_207 : i32
      %get3A_209 = arith.index_cast %add3A_208 : i32 to index
      %get3A_210 = tpu.vector_load %arg8[%get3A_209] {strides = array<i32>} : memref<3072xf32, #tpu.memory_space<vmem>>, vector<16xf32>,
      %get3A_211 = vector.shape_cast %get3A_210 : vector<16xf32> to vector<16xf32>
      %sub3A_212 = arith.subf %get3A_206, %get3A_211 : vector<16xf32>
      %mul3A_213 = arith.mulf %sub3A_190, %sub3A_190 : vector<16xf32>
      %mul3A_214 = arith.mulf %sub3A_201, %sub3A_201 : vector<16xf32>
      %add3A_215 = arith.addf %mul3A_213, %mul3A_214 : vector<16xf32>
      %mul3A_216 = arith.mulf %sub3A_212, %sub3A_212 : vector<16xf32>
      %add3A_217 = arith.addf %add3A_215, %mul3A_216 : vector<16xf32>
      %lt3A = arith.cmpf olt, %add3A_217, %mul3A_81 : vector<16xf32>
      %mul3A_218 = arith.mulf %add3A_217, %div3A_84 : vector<16xf32>
      %jit3A_219 = arith.constant 0.000000e+00 : f32
      %broadcast_in_dim3A_220 = vector.broadcast %jit3A_219 : f32 to vector<16xf32>
      %select_n3A_221 = arith.select %lt3A, %mul3A_218, %broadcast_in_dim3A_220 : vector<16xi1>, vector<16xf32>
      %mul3A_222 = arith.mulf %neg3A_86, %select_n3A_221 : vector<16xf32>
      %exp3A_223 = math.exp %mul3A_222 : vector<16xf32>
      %mul3A_224 = arith.mulf %div3A_91, %exp3A_223 : vector<16xf32>
      %add3A_225 = arith.addf %mul3A_224, %sub3A_94 : vector<16xf32>
      %bitcast_convert_type3A = tpu.bitcast %add3A_225 : vector<16xf32> -> vector<16xi32>
      %shift_right_arithmetic3A = arith.constant 23 : i32
      %shift_right_arithmetic3A_226 = vector.broadcast %shift_right_arithmetic3A : i32 to vector<16xi32>
      %shift_right_arithmetic3A_227 = arith.shrsi %bitcast_convert_type3A, %shift_right_arithmetic3A_226 : vector<16xi32>
      %sub3A_228 = arith.constant 127 : i32
      %sub3A_229 = vector.broadcast %sub3A_228 : i32 to vector<16xi32>
      %sub3A_230 = arith.subi %shift_right_arithmetic3A_227, %sub3A_229 : vector<16xi32>
      %and3A_231 = arith.constant 8388607 : i32
      %and3A_232 = vector.broadcast %and3A_231 : i32 to vector<16xi32>
      %and3A_233 = arith.andi %bitcast_convert_type3A, %and3A_232 : vector<16xi32>
      %or3A = arith.constant 1065353216 : i32
      %or3A_234 = vector.broadcast %or3A : i32 to vector<16xi32>
      %or3A_235 = arith.ori %and3A_233, %or3A_234 : vector<16xi32>
      %bitcast_convert_type3A_236 = tpu.bitcast %or3A_235 : vector<16xi32> -> vector<16xf32>
      %gt3A = arith.constant 1.41421354 : f32
      %gt3A_237 = vector.broadcast %gt3A : f32 to vector<16xf32>
      %gt3A_238 = arith.cmpf ogt, %bitcast_convert_type3A_236, %gt3A_237 : vector<16xf32>
      %mul3A_239 = arith.constant 5.000000e-01 : f32
      %mul3A_240 = vector.broadcast %mul3A_239 : f32 to vector<16xf32>
      %mul3A_241 = arith.mulf %bitcast_convert_type3A_236, %mul3A_240 : vector<16xf32>
      %select_n3A_242 = arith.select %gt3A_238, %mul3A_241, %bitcast_convert_type3A_236 : vector<16xi1>, vector<16xf32>
      %convert_element_type3A = arith.sitofp %sub3A_230 : vector<16xi32> to vector<16xf32>
      %jit3A_243 = arith.constant 1.000000e+00 : f32
      %jit3A_244 = arith.constant 0.000000e+00 : f32
      %broadcast_in_dim3A_245 = vector.broadcast %jit3A_243 : f32 to vector<16xf32>
      %broadcast_in_dim3A_246 = vector.broadcast %jit3A_244 : f32 to vector<16xf32>
      %select_n3A_247 = arith.select %gt3A_238, %broadcast_in_dim3A_245, %broadcast_in_dim3A_246 : vector<16xi1>, vector<16xf32>
      %add3A_248 = arith.addf %convert_element_type3A, %select_n3A_247 : vector<16xf32>
      %sub3A_249 = arith.constant 1.000000e+00 : f32
      %sub3A_250 = vector.broadcast %sub3A_249 : f32 to vector<16xf32>
      %sub3A_251 = arith.subf %select_n3A_242, %sub3A_250 : vector<16xf32>
      %add3A_252 = arith.constant 1.000000e+00 : f32
      %add3A_253 = vector.broadcast %add3A_252 : f32 to vector<16xf32>
      %add3A_254 = arith.addf %select_n3A_242, %add3A_253 : vector<16xf32>
      %div3A_255 = arith.divf %sub3A_251, %add3A_254 : vector<16xf32>
      %mul3A_256 = arith.mulf %div3A_255, %div3A_255 : vector<16xf32>
      %mul3A_257 = arith.constant 0.111111112 : f32
      %mul3A_258 = vector.broadcast %mul3A_257 : f32 to vector<16xf32>
      %mul3A_259 = arith.mulf %mul3A_256, %mul3A_258 : vector<16xf32>
      %add3A_260 = arith.constant 0.142857149 : f32
      %add3A_261 = vector.broadcast %add3A_260 : f32 to vector<16xf32>
      %add3A_262 = arith.addf %add3A_261, %mul3A_259 : vector<16xf32>
      %mul3A_263 = arith.mulf %mul3A_256, %add3A_262 : vector<16xf32>
      %add3A_264 = arith.constant 2.000000e-01 : f32
      %add3A_265 = vector.broadcast %add3A_264 : f32 to vector<16xf32>
      %add3A_266 = arith.addf %add3A_265, %mul3A_263 : vector<16xf32>
      %mul3A_267 = arith.mulf %mul3A_256, %add3A_266 : vector<16xf32>
      %add3A_268 = arith.constant 0.333333343 : f32
      %add3A_269 = vector.broadcast %add3A_268 : f32 to vector<16xf32>
      %add3A_270 = arith.addf %add3A_269, %mul3A_267 : vector<16xf32>
      %mul3A_271 = arith.mulf %mul3A_256, %add3A_270 : vector<16xf32>
      %add3A_272 = arith.constant 1.000000e+00 : f32
      %add3A_273 = vector.broadcast %add3A_272 : f32 to vector<16xf32>
      %add3A_274 = arith.addf %add3A_273, %mul3A_271 : vector<16xf32>
      %mul3A_275 = arith.constant 0.693147182 : f32
      %mul3A_276 = vector.broadcast %mul3A_275 : f32 to vector<16xf32>
      %mul3A_277 = arith.mulf %add3A_248, %mul3A_276 : vector<16xf32>
      %mul3A_278 = arith.constant 2.000000e+00 : f32
      %mul3A_279 = vector.broadcast %mul3A_278 : f32 to vector<16xf32>
      %mul3A_280 = arith.mulf %mul3A_279, %div3A_255 : vector<16xf32>
      %mul3A_281 = arith.mulf %mul3A_280, %add3A_274 : vector<16xf32>
      %add3A_282 = arith.addf %mul3A_277, %mul3A_281 : vector<16xf32>
      %jit3A_283 = arith.constant 0.000000e+00 : f32
      %broadcast_in_dim3A_284 = vector.broadcast %jit3A_283 : f32 to vector<16xf32>
      %select_n3A_285 = arith.select %lt3A, %add3A_282, %broadcast_in_dim3A_284 : vector<16xi1>, vector<16xf32>
      %add3A_286 = arith.addf %scan3A_178, %select_n3A_285 : vector<16xf32>
      %div3A_287 = arith.divf %mul3A_224, %add3A_225 : vector<16xf32>
      %gt3A_288 = arith.constant 0.949999988 : f32
      %gt3A_289 = vector.broadcast %gt3A_288 : f32 to vector<16xf32>
      %gt3A_290 = arith.cmpf ogt, %div3A_287, %gt3A_289 : vector<16xf32>
      %and3A_291 = arith.andi %lt3A, %gt3A_290 : vector<16xi1>
      %jit3A_292 = arith.constant 0.000000e+00 : f32
      %broadcast_in_dim3A_293 = vector.broadcast %jit3A_292 : f32 to vector<16xf32>
      %select_n3A_294 = arith.select %and3A_291, %div3A_287, %broadcast_in_dim3A_293 : vector<16xi1>, vector<16xf32>
      %add3A_295 = arith.addf %scan3A_179, %select_n3A_294 : vector<16xf32>
      scf.yield %add3A_286, %add3A_295 : vector<16xf32>, vector<16xf32>
    }
    %scan3A_101 = arith.constant 32 : i32
    %iota3A = tpu.iota {dimensions = array<i32: 0>} : vector<16xi32>
    %eq3A = vector.broadcast %rem3A_1 : i32 to vector<16xi32>
    %eq3A_102 = arith.cmpi eq, %iota3A, %eq3A : vector<16xi32>
    %iota3A_103 = tpu.iota {dimensions = array<i32: 0>} : vector<16xi32>
    %xor3A = arith.constant 8 : i32
    %xor3A_104 = vector.broadcast %xor3A : i32 to vector<16xi32>
    %xor3A_105 = arith.xori %iota3A_103, %xor3A_104 : vector<16xi32>
    %broadcast_in_dim3A_106 = vector.shape_cast %xor3A_105 : vector<16xi32> to vector<16x1xi32>
    %gather3A_107 = vector.shape_cast %broadcast_in_dim3A_106 : vector<16x1xi32> to vector<16xi32>
    %gather3A_108 = tpu.dynamic_gather %scan3A_100#0[%gather3A_107] in [0] : vector<16xf32>, vector<16xi32> -> vector<16xf32>
    %add3A_109 = arith.addf %scan3A_100#0, %gather3A_108 : vector<16xf32>
    %xor3A_110 = arith.constant 4 : i32
    %xor3A_111 = vector.broadcast %xor3A_110 : i32 to vector<16xi32>
    %xor3A_112 = arith.xori %iota3A_103, %xor3A_111 : vector<16xi32>
    %broadcast_in_dim3A_113 = vector.shape_cast %xor3A_112 : vector<16xi32> to vector<16x1xi32>
    %gather3A_114 = vector.shape_cast %broadcast_in_dim3A_113 : vector<16x1xi32> to vector<16xi32>
    %gather3A_115 = tpu.dynamic_gather %add3A_109[%gather3A_114] in [0] : vector<16xf32>, vector<16xi32> -> vector<16xf32>
    %add3A_116 = arith.addf %add3A_109, %gather3A_115 : vector<16xf32>
    %xor3A_117 = arith.constant 2 : i32
    %xor3A_118 = vector.broadcast %xor3A_117 : i32 to vector<16xi32>
    %xor3A_119 = arith.xori %iota3A_103, %xor3A_118 : vector<16xi32>
    %broadcast_in_dim3A_120 = vector.shape_cast %xor3A_119 : vector<16xi32> to vector<16x1xi32>
    %gather3A_121 = vector.shape_cast %broadcast_in_dim3A_120 : vector<16x1xi32> to vector<16xi32>
    %gather3A_122 = tpu.dynamic_gather %add3A_116[%gather3A_121] in [0] : vector<16xf32>, vector<16xi32> -> vector<16xf32>
    %add3A_123 = arith.addf %add3A_116, %gather3A_122 : vector<16xf32>
    %xor3A_124 = arith.constant 1 : i32
    %xor3A_125 = vector.broadcast %xor3A_124 : i32 to vector<16xi32>
    %xor3A_126 = arith.xori %iota3A_103, %xor3A_125 : vector<16xi32>
    %broadcast_in_dim3A_127 = vector.shape_cast %xor3A_126 : vector<16xi32> to vector<16x1xi32>
    %gather3A_128 = vector.shape_cast %broadcast_in_dim3A_127 : vector<16x1xi32> to vector<16xi32>
    %gather3A_129 = tpu.dynamic_gather %add3A_123[%gather3A_128] in [0] : vector<16xf32>, vector<16xi32> -> vector<16xf32>
    %add3A_130 = arith.addf %add3A_123, %gather3A_129 : vector<16xf32>
    %jit3A_131 = arith.constant 0.000000e+00 : f32
    %broadcast_in_dim3A_132 = vector.broadcast %jit3A_131 : f32 to vector<16xf32>
    %select_n3A_133 = arith.select %eq3A_102, %add3A_130, %broadcast_in_dim3A_132 : vector<16xi1>, vector<16xf32>
    %swap3A = arith.constant 0 : i32
    %swap3A_134 = arith.index_cast %swap3A : i32 to index
    %swap3A_135 = arith.constant 0 : index
    %swap3A_136 = tpu.vector_load %arg10[%swap3A_134, %swap3A_135] {strides = array<i32>} : memref<2x16xf32, #tpu.memory_space<vmem>>, vector<1x16xf32>,
    %swap3A_137 = vector.shape_cast %swap3A_136 : vector<1x16xf32> to vector<16xf32>
    %swap3A_138 = vector.shape_cast %select_n3A_133 : vector<16xf32> to vector<1x16xf32>
    tpu.vector_store %arg10[%swap3A_134, %swap3A_135], %swap3A_138 {strides = array<i32>} : memref<2x16xf32, #tpu.memory_space<vmem>>, vector<1x16xf32>,
    %iota3A_139 = tpu.iota {dimensions = array<i32: 0>} : vector<16xi32>
    %xor3A_140 = arith.constant 8 : i32
    %xor3A_141 = vector.broadcast %xor3A_140 : i32 to vector<16xi32>
    %xor3A_142 = arith.xori %iota3A_139, %xor3A_141 : vector<16xi32>
    %broadcast_in_dim3A_143 = vector.shape_cast %xor3A_142 : vector<16xi32> to vector<16x1xi32>
    %gather3A_144 = vector.shape_cast %broadcast_in_dim3A_143 : vector<16x1xi32> to vector<16xi32>
    %gather3A_145 = tpu.dynamic_gather %scan3A_100#1[%gather3A_144] in [0] : vector<16xf32>, vector<16xi32> -> vector<16xf32>
    %add3A_146 = arith.addf %scan3A_100#1, %gather3A_145 : vector<16xf32>
    %xor3A_147 = arith.constant 4 : i32
    %xor3A_148 = vector.broadcast %xor3A_147 : i32 to vector<16xi32>
    %xor3A_149 = arith.xori %iota3A_139, %xor3A_148 : vector<16xi32>
    %broadcast_in_dim3A_150 = vector.shape_cast %xor3A_149 : vector<16xi32> to vector<16x1xi32>
    %gather3A_151 = vector.shape_cast %broadcast_in_dim3A_150 : vector<16x1xi32> to vector<16xi32>
    %gather3A_152 = tpu.dynamic_gather %add3A_146[%gather3A_151] in [0] : vector<16xf32>, vector<16xi32> -> vector<16xf32>
    %add3A_153 = arith.addf %add3A_146, %gather3A_152 : vector<16xf32>
    %xor3A_154 = arith.constant 2 : i32
    %xor3A_155 = vector.broadcast %xor3A_154 : i32 to vector<16xi32>
    %xor3A_156 = arith.xori %iota3A_139, %xor3A_155 : vector<16xi32>
    %broadcast_in_dim3A_157 = vector.shape_cast %xor3A_156 : vector<16xi32> to vector<16x1xi32>
    %gather3A_158 = vector.shape_cast %broadcast_in_dim3A_157 : vector<16x1xi32> to vector<16xi32>
    %gather3A_159 = tpu.dynamic_gather %add3A_153[%gather3A_158] in [0] : vector<16xf32>, vector<16xi32> -> vector<16xf32>
    %add3A_160 = arith.addf %add3A_153, %gather3A_159 : vector<16xf32>
    %xor3A_161 = arith.constant 1 : i32
    %xor3A_162 = vector.broadcast %xor3A_161 : i32 to vector<16xi32>
    %xor3A_163 = arith.xori %iota3A_139, %xor3A_162 : vector<16xi32>
    %broadcast_in_dim3A_164 = vector.shape_cast %xor3A_163 : vector<16xi32> to vector<16x1xi32>
    %gather3A_165 = vector.shape_cast %broadcast_in_dim3A_164 : vector<16x1xi32> to vector<16xi32>
    %gather3A_166 = tpu.dynamic_gather %add3A_160[%gather3A_165] in [0] : vector<16xf32>, vector<16xi32> -> vector<16xf32>
    %add3A_167 = arith.addf %add3A_160, %gather3A_166 : vector<16xf32>
    %jit3A_168 = arith.constant 0.000000e+00 : f32
    %broadcast_in_dim3A_169 = vector.broadcast %jit3A_168 : f32 to vector<16xf32>
    %select_n3A_170 = arith.select %eq3A_102, %add3A_167, %broadcast_in_dim3A_169 : vector<16xi1>, vector<16xf32>
    %swap3A_171 = arith.constant 1 : i32
    %swap3A_172 = arith.index_cast %swap3A_171 : i32 to index
    %swap3A_173 = arith.constant 0 : index
    %swap3A_174 = tpu.vector_load %arg10[%swap3A_172, %swap3A_173] {strides = array<i32>} : memref<2x16xf32, #tpu.memory_space<vmem>>, vector<1x16xf32>,
    %swap3A_175 = vector.shape_cast %swap3A_174 : vector<1x16xf32> to vector<16xf32>
    %swap3A_176 = vector.shape_cast %select_n3A_170 : vector<16xf32> to vector<1x16xf32>
    tpu.vector_store %arg10[%swap3A_172, %swap3A_173], %swap3A_176 {strides = array<i32>} : memref<2x16xf32, #tpu.memory_space<vmem>>, vector<1x16xf32>,
    "tpu.region"() ({
      %run_scoped3A = tpu.sem_alloc : memref<!tpu.dma_semaphore, #tpu.memory_space<semaphore_mem>>
      %dma_start3A = arith.constant 0 : i32
      %dma_start3A_177 = arith.constant 0 : i32
      %dma_start3A_178 = tpu.memref_slice %arg7[%arg0, %arg1, %dma_start3A, %dma_start3A_177] : memref<2x16x2x16xf32, #tpu.memory_space<hbm>> -> memref<1x1x2x16xf32, #tpu.memory_space<hbm>>
      %dma_start3A_179 = tpu.memref_squeeze %dma_start3A_178 : memref<1x1x2x16xf32, #tpu.memory_space<hbm>> -> memref<2x16xf32, #tpu.memory_space<hbm>>
      %dma_start3A_180 = arith.constant 0 : i32
      %dma_start3A_181 = arith.constant 0 : i32
      %dma_start3A_182 = tpu.memref_slice %arg7[%arg0, %arg1, %dma_start3A_180, %dma_start3A_181] : memref<2x16x2x16xf32, #tpu.memory_space<hbm>> -> memref<1x1x2x16xf32, #tpu.memory_space<hbm>>
      %dma_start3A_183 = tpu.memref_squeeze %dma_start3A_182 : memref<1x1x2x16xf32, #tpu.memory_space<hbm>> -> memref<2x16xf32, #tpu.memory_space<hbm>>
      tpu.enqueue_dma source(%arg10 : memref<2x16xf32, #tpu.memory_space<vmem>>) target(%dma_start3A_183 : memref<2x16xf32, #tpu.memory_space<hbm>>) target_semaphore(%run_scoped3A : memref<!tpu.dma_semaphore, #tpu.memory_space<semaphore_mem>>)
      %dma_wait3A = arith.constant 0 : i32
      %dma_wait3A_184 = arith.constant 0 : i32
      %dma_wait3A_185 = tpu.memref_slice %arg7[%arg0, %arg1, %dma_wait3A, %dma_wait3A_184] : memref<2x16x2x16xf32, #tpu.memory_space<hbm>> -> memref<1x1x2x16xf32, #tpu.memory_space<hbm>>
      %dma_wait3A_186 = tpu.memref_squeeze %dma_wait3A_185 : memref<1x1x2x16xf32, #tpu.memory_space<hbm>> -> memref<2x16xf32, #tpu.memory_space<hbm>>
      %dma_wait3A_187 = arith.constant 0 : i32
      %dma_wait3A_188 = arith.constant 0 : i32
      %dma_wait3A_189 = tpu.memref_slice %arg7[%arg0, %arg1, %dma_wait3A_187, %dma_wait3A_188] : memref<2x16x2x16xf32, #tpu.memory_space<hbm>> -> memref<1x1x2x16xf32, #tpu.memory_space<hbm>>
      %dma_wait3A_190 = tpu.memref_squeeze %dma_wait3A_189 : memref<1x1x2x16xf32, #tpu.memory_space<hbm>> -> memref<2x16xf32, #tpu.memory_space<hbm>>
      tpu.wait_dma2 semaphore(%run_scoped3A : memref<!tpu.dma_semaphore, #tpu.memory_space<semaphore_mem>>) src(%arg10 : memref<2x16xf32, #tpu.memory_space<vmem>>) dst(%dma_wait3A_190 : memref<2x16xf32, #tpu.memory_space<hbm>>)
      tpu.yield
    }) : () -> ()
    return
  }
}

module attributes {stable_mosaic.version = 14 : i64} {
  func.func @_tc_combine(%arg0: memref<2x16x2x16xf32, #tpu.memory_space<vmem>>, %arg1: memref<2x8xf32, #tpu.memory_space<vmem>>) attributes {dimension_semantics = [], scalar_prefetch = 0 : i64, scratch_operands = 0 : i64, tpu.core_type = #tpu.core_type<tc>} {
    %get3A = arith.constant 0 : index
    %get3A_0 = arith.constant 0 : index
    %get3A_1 = arith.constant 0 : index
    %get3A_2 = arith.constant 0 : index
    %get3A_3 = vector.load %arg0[%get3A, %get3A_0, %get3A_1, %get3A_2] : memref<2x16x2x16xf32, #tpu.memory_space<vmem>>, vector<2x16x2x16xf32>
    %reduce_sum3A = arith.constant dense<0.000000e+00> : vector<2x16xf32>
    %reduce_sum3A_4 = vector.multi_reduction <add>, %get3A_3, %reduce_sum3A [0, 1] : vector<2x16x2x16xf32> to vector<2x16xf32>
    %slice3A = vector.extract_strided_slice %reduce_sum3A_4 {offsets = [0, 0], sizes = [2, 8], strides = [1, 1]} : vector<2x16xf32> to vector<2x8xf32>
    %swap3A = arith.constant 0 : index
    %swap3A_5 = arith.constant 0 : index
    %swap3A_6 = vector.load %arg1[%swap3A, %swap3A_5] : memref<2x8xf32, #tpu.memory_space<vmem>>, vector<2x8xf32>
    tpu.vector_store %arg1[%swap3A, %swap3A_5], %slice3A {strides = array<i32>} : memref<2x8xf32, #tpu.memory_space<vmem>>, vector<2x8xf32>,
    return
  }
}

module attributes {stable_mosaic.version = 14 : i64} {
  func.func @_tc_main(%arg0: memref<3x8x2048xf32, #tpu.memory_space<vmem>>, %arg1: memref<3x8x2048xf32, #tpu.memory_space<vmem>>, %arg2: memref<8x1xf32, #tpu.memory_space<vmem>>, %arg3: memref<8x1xf32, #tpu.memory_space<vmem>>, %arg4: memref<8x1xf32, #tpu.memory_space<vmem>>, %arg5: memref<8x1xf32, #tpu.memory_space<vmem>>, %arg6: memref<8x1xf32, #tpu.memory_space<vmem>>) attributes {dimension_semantics = [], scalar_prefetch = 0 : i64, scratch_operands = 0 : i64, tpu.core_type = #tpu.core_type<tc>} {
    %get3A = arith.constant 0 : index
    %get3A_0 = arith.constant 0 : index
    %get3A_1 = arith.constant 0 : index
    %get3A_2 = vector.load %arg0[%get3A, %get3A_0, %get3A_1] : memref<3x8x2048xf32, #tpu.memory_space<vmem>>, vector<3x8x2048xf32>
    %get3A_3 = arith.constant 0 : index
    %get3A_4 = arith.constant 0 : index
    %get3A_5 = arith.constant 0 : index
    %get3A_6 = vector.load %arg1[%get3A_3, %get3A_4, %get3A_5] : memref<3x8x2048xf32, #tpu.memory_space<vmem>>, vector<3x8x2048xf32>
    %sub3A = arith.subf %get3A_2, %get3A_6 : vector<3x8x2048xf32>
    %mul3A = arith.mulf %sub3A, %sub3A : vector<3x8x2048xf32>
    %reduce_sum3A = arith.constant dense<0.000000e+00> : vector<8x2048xf32>
    %reduce_sum3A_7 = vector.multi_reduction <add>, %mul3A, %reduce_sum3A [0] : vector<3x8x2048xf32> to vector<8x2048xf32>
    %get3A_8 = arith.constant 0 : index
    %get3A_9 = arith.constant 0 : index
    %get3A_10 = vector.load %arg4[%get3A_8, %get3A_9] : memref<8x1xf32, #tpu.memory_space<vmem>>, vector<8x1xf32>
    %mul3A_11 = arith.constant 0.0174532924 : f32
    %mul3A_12 = vector.broadcast %mul3A_11 : f32 to vector<8x1xf32>
    %mul3A_13 = arith.mulf %get3A_10, %mul3A_12 : vector<8x1xf32>
    %mul3A_14 = arith.constant 5.000000e-01 : f32
    %mul3A_15 = vector.broadcast %mul3A_14 : f32 to vector<8x1xf32>
    %mul3A_16 = arith.mulf %mul3A_13, %mul3A_15 : vector<8x1xf32>
    %sin3A = math.sin %mul3A_16 : vector<8x1xf32>
    %mul3A_17 = arith.constant 2.000000e+00 : f32
    %mul3A_18 = vector.broadcast %mul3A_17 : f32 to vector<8x1xf32>
    %mul3A_19 = arith.mulf %mul3A_18, %sin3A : vector<8x1xf32>
    %integer_pow3A = arith.mulf %mul3A_19, %mul3A_19 : vector<8x1xf32>
    %get3A_20 = arith.constant 0 : index
    %get3A_21 = arith.constant 0 : index
    %get3A_22 = vector.load %arg2[%get3A_20, %get3A_21] : memref<8x1xf32, #tpu.memory_space<vmem>>, vector<8x1xf32>
    %get3A_23 = arith.constant 0 : index
    %get3A_24 = arith.constant 0 : index
    %get3A_25 = vector.load %arg3[%get3A_23, %get3A_24] : memref<8x1xf32, #tpu.memory_space<vmem>>, vector<8x1xf32>
    %lt3A = vector.broadcast %integer_pow3A : vector<8x1xf32> to vector<8x2048xf32>
    %lt3A_26 = arith.cmpf olt, %reduce_sum3A_7, %lt3A : vector<8x2048xf32>
    %div3A = vector.broadcast %integer_pow3A : vector<8x1xf32> to vector<8x2048xf32>
    %div3A_27 = arith.divf %reduce_sum3A_7, %div3A : vector<8x2048xf32>
    %jit3A = arith.constant 0.000000e+00 : f32
    %broadcast_in_dim3A = vector.broadcast %jit3A : f32 to vector<8x2048xf32>
    %select_n3A = arith.select %lt3A_26, %div3A_27, %broadcast_in_dim3A : vector<8x2048xi1>, vector<8x2048xf32>
    %neg3A = arith.constant 0.000000e+00 : f32
    %neg3A_28 = vector.broadcast %neg3A : f32 to vector<8x1xf32>
    %neg3A_29 = arith.subf %neg3A_28, %get3A_25 : vector<8x1xf32>
    %mul3A_30 = vector.broadcast %neg3A_29 : vector<8x1xf32> to vector<8x2048xf32>
    %mul3A_31 = arith.mulf %mul3A_30, %select_n3A : vector<8x2048xf32>
    %exp3A = math.exp %mul3A_31 : vector<8x2048xf32>
    %mul3A_32 = vector.broadcast %get3A_25 : vector<8x1xf32> to vector<8x2048xf32>
    %mul3A_33 = arith.mulf %exp3A, %mul3A_32 : vector<8x2048xf32>
    %neg3A_34 = arith.constant 0.000000e+00 : f32
    %neg3A_35 = vector.broadcast %neg3A_34 : f32 to vector<8x1xf32>
    %neg3A_36 = arith.subf %neg3A_35, %get3A_25 : vector<8x1xf32>
    %exp3A_37 = math.exp %neg3A_36 : vector<8x1xf32>
    %sub3A_38 = arith.constant 1.000000e+00 : f32
    %sub3A_39 = vector.broadcast %sub3A_38 : f32 to vector<8x1xf32>
    %sub3A_40 = arith.subf %sub3A_39, %exp3A_37 : vector<8x1xf32>
    %div3A_41 = vector.broadcast %sub3A_40 : vector<8x1xf32> to vector<8x2048xf32>
    %div3A_42 = arith.divf %mul3A_33, %div3A_41 : vector<8x2048xf32>
    %mul3A_43 = vector.broadcast %get3A_22 : vector<8x1xf32> to vector<8x2048xf32>
    %mul3A_44 = arith.mulf %mul3A_43, %div3A_42 : vector<8x2048xf32>
    %sub3A_45 = arith.constant 1.000000e+00 : f32
    %sub3A_46 = vector.broadcast %sub3A_45 : f32 to vector<8x1xf32>
    %sub3A_47 = arith.subf %sub3A_46, %get3A_22 : vector<8x1xf32>
    %add3A = vector.broadcast %sub3A_47 : vector<8x1xf32> to vector<8x2048xf32>
    %add3A_48 = arith.addf %mul3A_44, %add3A : vector<8x2048xf32>
    %log3A = math.log %add3A_48 : vector<8x2048xf32>
    %jit3A_49 = arith.constant 0.000000e+00 : f32
    %broadcast_in_dim3A_50 = vector.broadcast %jit3A_49 : f32 to vector<8x2048xf32>
    %select_n3A_51 = arith.select %lt3A_26, %log3A, %broadcast_in_dim3A_50 : vector<8x2048xi1>, vector<8x2048xf32>
    %div3A_52 = arith.divf %mul3A_44, %add3A_48 : vector<8x2048xf32>
    %gt3A = arith.constant 0.949999988 : f32
    %gt3A_53 = vector.broadcast %gt3A : f32 to vector<8x2048xf32>
    %gt3A_54 = arith.cmpf ogt, %div3A_52, %gt3A_53 : vector<8x2048xf32>
    %and3A = arith.andi %lt3A_26, %gt3A_54 : vector<8x2048xi1>
    %jit3A_55 = arith.constant 0.000000e+00 : f32
    %broadcast_in_dim3A_56 = vector.broadcast %jit3A_55 : f32 to vector<8x2048xf32>
    %select_n3A_57 = arith.select %and3A, %div3A_52, %broadcast_in_dim3A_56 : vector<8x2048xi1>, vector<8x2048xf32>
    %reduce_sum3A_58 = arith.constant dense<0.000000e+00> : vector<8xf32>
    %reduce_sum3A_59 = vector.multi_reduction <add>, %select_n3A_51, %reduce_sum3A_58 [1] : vector<8x2048xf32> to vector<8xf32>
    %broadcast_in_dim3A_60 = vector.shape_cast %reduce_sum3A_59 : vector<8xf32> to vector<8x1xf32>
    %swap3A = arith.constant 0 : index
    %swap3A_61 = arith.constant 0 : index
    %swap3A_62 = vector.load %arg5[%swap3A, %swap3A_61] : memref<8x1xf32, #tpu.memory_space<vmem>>, vector<8x1xf32>
    tpu.vector_store %arg5[%swap3A, %swap3A_61], %broadcast_in_dim3A_60 {strides = array<i32>} : memref<8x1xf32, #tpu.memory_space<vmem>>, vector<8x1xf32>,
    %reduce_sum3A_63 = arith.constant dense<0.000000e+00> : vector<8xf32>
    %reduce_sum3A_64 = vector.multi_reduction <add>, %select_n3A_57, %reduce_sum3A_63 [1] : vector<8x2048xf32> to vector<8xf32>
    %broadcast_in_dim3A_65 = vector.shape_cast %reduce_sum3A_64 : vector<8xf32> to vector<8x1xf32>
    %swap3A_66 = arith.constant 0 : index
    %swap3A_67 = arith.constant 0 : index
    %swap3A_68 = vector.load %arg6[%swap3A_66, %swap3A_67] : memref<8x1xf32, #tpu.memory_space<vmem>>, vector<8x1xf32>
    tpu.vector_store %arg6[%swap3A_66, %swap3A_67], %broadcast_in_dim3A_65 {strides = array<i32>} : memref<8x1xf32, #tpu.memory_space<vmem>>, vector<8x1xf32>,
    return
  }
}

</mosaic_0001>

<sc_bundles>
// kernel: kernel.5.cloned.1.call-start
scs
__scs_entry_jumppad:
0x0: {  	(pc) =	sbr.rel $0x88, $3  }
0x1: {  	(tag) =	ssettag $0x0;
	lr =	simm.s32 $0x1  }
0x2: {  	[smem:$0x3F9C] =	sst lr;
	_ =	strace $0xD0000000  }
0x3: {  	_ = 	snop  }
0x4: {  	_ = 	snop  }
0x5: {  	_ = 	snop  }
0x6: {  	_ = 	snop  }
0x7: {  	_ = 	snop  }
__scs_overlays_trampoline_lowered:
0x8: {  	[smem:$0x3FAB] =	sst s0  }
0x9: {  	[smem:$0x3FAC] =	sst s1  }
0xa: {  	[smem:$0x3FAD] =	sst s2  }
0xb: {  	[smem:$0x3FAE] =	sst s3  }
0xc: {  	[smem:$0x3FAF] =	sst s4  }
0xd: {  	[smem:$0x3FB0] =	sst s5  }
0xe: {  	[smem:$0x3FB1] =	sst s6  }
0xf: {  	[smem:$0x3FB2] =	sst s7  }
0x10: {  	[smem:$0x3FB3] =	sst s8  }
0x11: {  	[smem:$0x3FB4] =	sst s9;
	s0 =	simm.s32 @!p0 $0x0  }
0x12: {  	s1 =	sld [smem:$0x3F9A];
	s0 =	simm.s32 @p0 $0x1  }
0x13: {  	[smem:$0x3FB5] =	sst s0;
	s0 =	simm.s32 @!p1 $0x0  }
0x14: {  	s2 =	sld [smem:$0x3F99];
	s0 =	simm.s32 @p1 $0x1  }
0x15: {  	[smem:$0x3FB6] =	sst s0;
	s0 =	simm.s32 @!p2 $0x0  }
0x16: {  	s3 =	sld [smem:$0x3FDB];
	s0 =	simm.s32 @p2 $0x1  }
0x17: {  	s4 =	simm.s32 $0x1BF5;
	[smem:$0x3FB8] =	sst s0  }
0x18: {  	s0 =	sld [smem:$0x3F9B];
	_ =	swait.ge [sflag:s4], $0x0  }
0x19: {  	s7 =	sld [smem:$0x3F9C]  }
0x1a: {  	s8 =	sadd.s32 $0xFFFFE003, lr  }
0x1b: {  	s9 =	sadd.s32 $0xFFFFFEF7, lr;
	s5 =	simm.s32 $0xFFFFFFFF;
	p2 =	slt.u32 s8, $0xFFFFF086  }
0x1c: {  	p1 =	slt.u32 s9, $0xF7A;
	s5 =	simm.s32 @!p2 $0x0  }
0x1d: {  	s5 =	simm.s32 @p1 $0x1;
	p0 =	seq.s32 s7, s2  }
0x1e: {  	s7 =	smul.u32 @!p0 $0xF7A, s2;
	p2 =	seq.s32 @!p0 s5, $0x0  }
0x1f: {  	s9 =	smul.u32 $0xF7A, s1;
	s8 =	simm.s32 @!p0 $0x1BF5;
	p2 =	por !p2, p0  }
0x20: {  	[sflag:s8] =	ssyncset.s32 @!p0 $0xFFFFF086;
	s6 =	sadd.s32 @!p0 s3, s7;
	s7 =	simm.s32 @!p0 $0x108  }
0x21: {  	s3 =	sadd.s32 s3, s9;
	s6 =	sadd.s32 @!p0 $0x88, s6;
	s7 =	simm.s32 @p2 $0x1082  }
0x22: {  	[simem:s7], [sflag:s8] =	dma.local @!p0 [hbm:s6], $0xF7A  }
0x23: {  	s9 =	sor.u32 $0xD0000000, s2;
	s6 =	simm.s32 $0x108;
	_ =	swait.ge @!p0 [sflag:s8], $0x0  }
0x24: {  	s3 =	sadd.s32 $0x88, s3;
	s6 =	simm.s32 @!p1 $0x1082;
	[sflag:s4] =	ssyncset.s32 $0xFFFFF086  }
0x25: {  	[simem:s6], [sflag:s4] =	dma.local [hbm:s3], $0xF7A  }
0x26: {  	[smem:$0x3F9C] =	sst s1;
	(tag) =	ssettag s2;
	_ =	strace s9  }
0x27: {  	s1 =	sld [smem:$0x3FAC]  }
0x28: {  	s2 =	sld [smem:$0x3FAD]  }
0x29: {  	s4 =	sld [smem:$0x3FAF]  }
0x2a: {  	p0 =	seq.s32 s5, $0x0;
	s5 =	sld [smem:$0x3FB0]  }
0x2b: {  	s6 =	sld [smem:$0x3FB1]  }
0x2c: {  	s7 =	sld [smem:$0x3FB2]  }
0x2d: {  	s3 =	simm.s32 $0x108;
	s8 =	sld [smem:$0x3FB3]  }
0x2e: {  	s3 =	simm.s32 @!p0 $0x1082;
	s9 =	sld [smem:$0x3FB4]  }
0x2f: {  	lr =	sadd.s32 s0, s3;
	s0 =	sld [smem:$0x3FAB]  }
0x30: {  	s3 =	sld [smem:$0x3FAE]  }
0x31: {  	[smem:$0x3FB7] =	sst s10  }
0x32: {  	s10 =	sld [smem:$0x3FB5];
	_ =	sdelay $0x3  }
0x33: {  	p0 =	seq.s32 s10, $0x1;
	s10 =	sld [smem:$0x3FB7];
	_ =	sdelay $0x3  }
0x34: {  	[smem:$0x3FB7] =	sst s10  }
0x35: {  	s10 =	sld [smem:$0x3FB6];
	_ =	sdelay $0x3  }
0x36: {  	p1 =	seq.s32 s10, $0x1;
	s10 =	sld [smem:$0x3FB7];
	_ =	sdelay $0x3  }
0x37: {  	[smem:$0x3FB7] =	sst s10  }
0x38: {  	s10 =	sld [smem:$0x3FB8]  }
0x39: {  	_ = 	snop;
	(pc) =	sbr.ind lr, $3  }
0x3a: {  	_ = 	snop  }
0x3b: {  	_ = 	snop  }
0x3c: {  	p2 =	seq.s32 s10, $0x1;
	s10 =	sld [smem:$0x3FB7]  }
0x3d: {  	_ =	shalt  }
0x3e: {  	_ =	shalt  }
0x3f: {  	_ =	shalt  }
0x40: {  	_ =	shalt  }
0x41: {  	_ =	shalt  }
0x42: {  	_ =	shalt  }
0x43: {  	_ =	shalt  }
0x44: {  	_ =	shalt  }
0x45: {  	_ =	shalt  }
0x46: {  	_ =	shalt  }
0x47: {  	_ =	shalt  }
0x48: {  	_ =	shalt  }
0x49: {  	_ =	shalt  }
0x4a: {  	_ =	shalt  }
0x4b: {  	_ =	shalt  }
0x4c: {  	_ =	shalt  }
0x4d: {  	_ =	shalt  }
0x4e: {  	_ =	shalt  }
0x4f: {  	_ =	shalt  }
0x50: {  	_ =	shalt  }
0x51: {  	_ =	shalt  }
0x52: {  	_ =	shalt  }
0x53: {  	_ =	shalt  }
0x54: {  	_ =	shalt  }
0x55: {  	_ =	shalt  }
0x56: {  	_ =	shalt  }
0x57: {  	_ =	shalt  }
0x58: {  	_ =	shalt  }
0x59: {  	_ =	shalt  }
0x5a: {  	_ =	shalt  }
0x5b: {  	_ =	shalt  }
0x5c: {  	_ =	shalt  }
0x5d: {  	_ =	shalt  }
0x5e: {  	_ =	shalt  }
0x5f: {  	_ =	shalt  }
0x60: {  	_ =	shalt  }
0x61: {  	_ =	shalt  }
0x62: {  	_ =	shalt  }
0x63: {  	_ =	shalt  }
0x64: {  	_ =	shalt  }
0x65: {  	_ =	shalt  }
0x66: {  	_ =	shalt  }
0x67: {  	_ =	shalt  }
0x68: {  	_ =	shalt  }
0x69: {  	_ =	shalt  }
0x6a: {  	_ =	shalt  }
0x6b: {  	_ =	shalt  }
0x6c: {  	_ =	shalt  }
0x6d: {  	_ =	shalt  }
0x6e: {  	_ =	shalt  }
0x6f: {  	_ =	shalt  }
0x70: {  	_ =	shalt  }
0x71: {  	_ =	shalt  }
0x72: {  	_ =	shalt  }
0x73: {  	_ =	shalt  }
0x74: {  	_ =	shalt  }
0x75: {  	_ =	shalt  }
0x76: {  	_ =	shalt  }
0x77: {  	_ =	shalt  }
0x78: {  	_ =	shalt  }
0x79: {  	_ =	shalt  }
0x7a: {  	_ =	shalt  }
0x7b: {  	_ =	shalt  }
0x7c: {  	_ =	shalt  }
0x7d: {  	_ =	shalt  }
0x7e: {  	_ =	shalt  }
0x7f: {  	_ =	shalt  }
0x80: {  	_ =	shalt  }
0x81: {  	_ =	shalt  }
0x82: {  	_ =	shalt  }
0x83: {  	_ =	shalt  }
0x84: {  	_ =	shalt  }
0x85: {  	_ =	shalt  }
0x86: {  	_ =	shalt  }
0x87: {  	_ =	shalt  }
.Lfunc_end0:
.L_simem_size_0:
called_computation_lowered:
.L_overlay_start_0:
0x88: {  	s2 =	sld [smem:$0x3FD9]  }
0x89: {  	s3 =	sld [smem:$0x3FFE];
	_ =	sdelay $0x1  }
0x8a: {  	s1 =	srdreg.scid  }
0x8b: {  	s0 =	sand.u32 $0x1, s1  }
0x8c: {  	s17 =	sshll.u32 s0, $0xA;
	s2 =	sadd.s32 s3, s2  }
0x8d: {  	s2 =	sadd.s32 s2, s17  }
0x8e: {  	[smem:$0x3FC3] =	sst s2  }
0x8f: {  	_ = 	snop  }
0x90: {  	s2 =	sld [smem:$0x3FC8]  }
0x91: {  	s18 =	sld [smem:$0x3FC7]  }
0x92: {  	s4 =	sld [smem:$0x3FC5];
	(tm) =	ssettm $0x1  }
0x93: {  	s5 =	sld [smem:$0x3FFB];
	_ =	sdelay $0x3  }
0x94: {  	_ =	strace s5  }
0x95: {  	s5 =	sld [smem:$0x3FFC];
	_ =	sdelay $0x3  }
0x96: {  	_ =	strace s5  }
0x97: {  	s5 =	sld [smem:$0x3FFD];
	_ =	sdelay $0x3  }
0x98: {  	_ =	strace s5  }
0x99: {  	_ =	strace $0x8FFFFFFF  }
0x9a: {  	s19 =	sld [smem:$0x3FDB];
	_ =	sdelay $0x1  }
0x9b: {  	s6 =	simm.s32 $_scs_section_size  }
0x9c: {  	s7 =	simm.s32 $_size__tile_overlayer_lowered;
	s8 =	simm.s32 $_tile_overlayer_lowered  }
0x9d: {  	s22 =	simm.s32 $0x1BFF;
	s21 =	sshll.u32 s8, $0x1;
	s5 =	sadd.s32 s6, s19  }
0x9e: {  	s9 =	simm.s32 $0x0;
	s20 =	sshll.u32 s7, $0x1;
	s7 =	sadd.s32 s21, s5  }
0x9f: {  	[timem:s9], [sflag:s22] =	dma.local [hbm:s7], s20  }
0xa0: {  	_ =	swait.ge [sflag:s22], s20  }
0xa1: {  	s6 =	ssub.s32 $0x0, s20;
	[sflag:s22] =	ssyncset.done $0x0  }
0xa2: {  	[sflag:s22] =	ssyncadd.s32 s6;
	_ =	sdelay $0x1  }
0xa3: {  	s23 =	simm.s32 $0x1B8B  }
0xa4: {  	_ =	swait.ge [sflag:s23], $0x1  }
0xa5: {  	[sflag:s23] =	ssyncset.done $0x0  }
0xa6: {  	s25 =	simm.s32 $0x1B8E;
	s24 =	sld [smem:$0x3FFE];
	[sflag:s23] =	ssyncadd.s32 $0xFFFFFFFF  }
0xa7: {  	s26 =	simm.s32 $execute0_lowered;
	[smem:$0x3FD2] =	sst s25  }
0xa8: {  	s7 =	sshll.u32 s26, $0x1;
	_ =	strace $0x80000046;
	[dreg:$0x1] =	wrdreg $0xFFFFFFFF  }
0xa9: {  	s28 =	simm.s32 $_size_execute0_lowered;
	s5 =	sadd.s32 s5, s7;
	[dreg:$0x0] =	wrdreg $0x0  }
0xaa: {  	s7 =	sshll.u32 s28, $0x1;
	[dreg:$0x2] =	wrdreg s5  }
0xab: {  	[dreg:$0x3] =	wrdreg s7  }
0xac: {  	[dreg:$0x4] =	wrdreg $0xC0  }
0xad: {  	_ =	task [dreg:s9], $0x5FFFF  }
0xae: {  	[dreg:$0x1] =	wrdreg $0xFFFFFFFF  }
0xaf: {  	[dreg:$0x0] =	wrdreg $0x60  }
0xb0: {  	[dreg:$0x2] =	wrdreg s24  }
0xb1: {  	[dreg:$0x3] =	wrdreg s2  }
0xb2: {  	[dreg:$0x4] =	wrdreg s18  }
0xb3: {  	[dreg:$0x5] =	wrdreg s4  }
0xb4: {  	[dreg:$0x6] =	wrdreg $0x9  }
0xb5: {  	_ =	task.clear_ibuf [dreg:s9], $0x7FFFF;
	_ =	strace $0x90000046  }
0xb6: {  	s29 =	simm.s32 $0x9;
	_ =	strace $0x80000048  }
0xb7: {  	_ =	swait.ge [sflag:s29], $0x1  }
0xb8: {  	[sflag:s29] =	ssyncadd.s32 $0xFFFFFFFF  }
0xb9: {  	_ =	strace $0x90000048  }
0xba: {  	_ =	sfence  }
0xbb: {  	s30 =	sld [smem:$0x0];
	_ =	sdelay $0x2  }
0xbc: {  	s31 =	sshll.u32 s1, $0xD;
	s1 =	sshrl.u32 s1, $0x2  }
0xbd: {  	s3 =	sand.u32 $0x4000, s31;
	s1 =	sadd.s32 s1, s30  }
0xbe: {  	s0 =	sor.u32 s3, s0;
	s1 =	sshll.u32 s1, $0x11  }
0xbf: {  	s0 =	sor.u32 s1, s0  }
0xc0: {  	s0 =	sadd.s32 $0x8F2B, s0  }
0xc1: {  	[sflag:s0] =	ssyncadd.remote.s32 $0x1  }
0xc2: {  	_ =	sfence.sel $0xFFFF  }
0xc3: {  	[dreg:$0x0] =	wrdreg $0xFFFFFFFF;
	(pc) =	sbr.abs _section_cstart, $3  }
0xc4: {  	[dreg:$0x1] =	wrdreg $0xFFFFFFFF  }
0xc5: {  	_ =	task.clear_ibuf [dreg:s9], $0x2FFFF;
	_ =	strace $0x9FFFFFFF  }
0xc6: {  	(tm) =	ssettm $0x7FFFFFFF  }
0xc7: {  	_ =	shalt  }
tec
execute0_lowered:
.L_overlay_start_1:
0x0: {  	(tag) =	ssettag $0x1  }
0x1: {  	s6 =	rddreg [dreg:$0x0]  }
0x2: {  	s0 =	rddreg [dreg:$0x1]  }
0x3: {  	s1 =	srdreg.scid;
	s3 =	rddreg [dreg:$0x2]  }
0x4: {  	s4 =	rddreg [dreg:$0x3];
	s2 =	stileid.u32;
	s8 =	simm.s32 $0x1  }
0x5: {  	s19 =	simm.s32 $0xA00;
	s20 =	simm.s32 $0xC00;
	s21 =	simm.s32 $0xC10  }
0x6: {  	v0 =	vimm.s32 $0xBA98FEDC;
	v1 =	vimm.s32 $0x32107654;
	s22 =	simm.s32 $0xC20;
	s23 =	simm.s32 $0xC80;
	s11 =	sand.u32 $0x1, s1  }
0x7: {  	s1 =	rddreg [dreg:$0x4];
	s13 =	sand.u32 $0x7, s2;
	s12 =	sadd.s32 $0xE00, s6;
	v0 =	vunpack.c.l.s4.s8 v0;
	v1 =	vunpack.c.l.s4.s8 v1  }
0x8: {  	s14 =	sadd.s32 $0x3E00, s6;
	s9 =	sshll.u32 s2, $0x5;
	s5 =	sshll.u32 s11, $0x4  }
0x9: {  	p1 =	sne.s32 s13, $0x0;
	s24 =	ssub.s32 $0x2, s11;
	s7 =	sor.u32 s2, s5;
	v0 =	vunpack.c.0.s8.s32 v0;
	v1 =	vunpack.c.0.s8.s32 v1  }
0xa: {  	s10 =	sshll.u32 s13, $0xB;
	s15 =	sadd.s32 s9, s6;
	p0 =	seq.s32 s7, $0x0  }
0xb: {  	v4 =	vimm.s32 $0xDCFE98BA;
	s6 =	simm.s32 $0x1;
	s30 =	sshll.u32 s11, $0x9;
	p0 =	por !p1, !p0;
	v5 =	vcombine.low v1, v0;
	v1 =	vimm.s32 $0x54761032  }
0xc: {  	s5 =	simm.s32 $0x0;
	s25 =	sshrl.u32 s24, $0x1;
	v0 =	vunpack.c.l.s4.s8 v4;
	p0 =	por !p0, !p0;
	v1 =	vunpack.c.l.s4.s8 v1  }
0xd: {  	v2 =	vimm.s32 $0x76543210;
	v3 =	vimm.s32 $0xFEDCBA98;
	v6 =	vimm.s32 $0x67452301;
	s31 =	sadd.s32 s30, s15;
	s7 =	sshrl.u32 s7, $0x3;
	s8 =	simm.s32 @!p0 $0x0  }
0xe: {  	s15 =	simm.s32 $0x600;
	[smem:$0x7FF] =	sst s5;
	v4 =	vimm.s32 $0xEFCDAB89;
	v0 =	vunpack.c.0.s8.s32 v0;
	s7 =	ssub.s32 s7, s8;
	v1 =	vunpack.c.0.s8.s32 v1  }
0xf: {  	v3 =	vunpack.c.l.s4.s8 v3;
	v6 =	vunpack.c.l.s4.s8 v6;
	s16 =	ssub.s32 s24, s25;
	s24 =	simm.s32 $0x0;
	v4 =	vunpack.c.l.s4.s8 v4;
	s7 =	sshll.u32 s7, $0x9  }
0x10: {  	v2 =	vunpack.c.l.s4.s8 v2;
	_ =	strace $0x80000047;
	s10 =	sadd.s32 s10, s7;
	v7 =	vcombine.low v1, v0;
	v0 =	vmov s13;
	s13 =	sadd.s32 $0x6E00, s31  }
0x11: {  	v3 =	vunpack.c.0.s8.s32 v3;
	v6 =	vunpack.c.0.s8.s32 v6;
	v4 =	vunpack.c.0.s8.s32 v4;
	s26 =	sshrl.u32 s10, $0x3;
	s28 =	sadd.s32 $0x8000, s10;
	s18 =	sadd.s32 $0x10000, s10  }
0x12: {  	v2 =	vunpack.c.0.s8.s32 v2;
	s7 =	sadd.s32 s12, s26;
	s17 =	sshrl.u32 s28, $0x3;
	s8 =	sadd.s32 s14, s26  }
0x13: {  	v3 =	vand.u32 $0xF, v3;
	v6 =	vcombine.low v6, v4;
	v1 =	vlaneseq.u32;
	s29 =	sshrl.u32 s18, $0x3;
	s18 =	simm.s32 $0x400;
	s9 =	sadd.s32 s12, s17  }
0x14: {  	v2 =	vcombine.low v3, v2;
	v3 =	vand.u32 $0xF, v5;
	vm0 =	veq.s32 v0, v1;
	s10 =	sadd.s32 s14, s17;
	s11 =	sadd.s32 s12, s29;
	s12 =	sadd.s32 s14, s29  }
0x15: {  	v1 =	vimm.f32 $0.0e+00;
	v4 =	vand.u32 $0xF, v7;
	v5 =	vand.u32 $0xF, v6;
	s14 =	smax.u32 s16, $0x1;
	s16 =	simm.s32 $0x200;
	s17 =	simm.s32 $0x800  }
.LBB2_1:
0x16: {  	[tilespmem:s5], [sflag:$0x1] =	stream.linear.gather [hbm4b:s7+s5], $0x200, $0x38;
	[tilespmem:$0xD80] =	vst v63  }
0x17: {  	_ =	swait.ge [sflag:s6], $0x200  }
0x18: {  	[sflag:s6] =	ssyncset.done $0x0  }
0x19: {  	[sflag:s6] =	ssyncadd.s32 $0xFFFFFE00  }
0x1a: {  	[tilespmem:s15], [sflag:$0x1] =	stream.linear.gather [hbm4b:s8+s5], $0x200, $0x38;
	[tilespmem:$0xD80] =	vst v63  }
0x1b: {  	_ =	swait.ge [sflag:s6], $0x200  }
0x1c: {  	[sflag:s6] =	ssyncset.done $0x0  }
0x1d: {  	[sflag:s6] =	ssyncadd.s32 $0xFFFFFE00  }
0x1e: {  	[tilespmem:s16], [sflag:$0x1] =	stream.linear.gather [hbm4b:s9+s5], $0x200, $0x38;
	[tilespmem:$0xD80] =	vst v63  }
0x1f: {  	_ =	swait.ge [sflag:s6], $0x200  }
0x20: {  	[sflag:s6] =	ssyncset.done $0x0  }
0x21: {  	[sflag:s6] =	ssyncadd.s32 $0xFFFFFE00  }
0x22: {  	[tilespmem:s17], [sflag:$0x1] =	stream.linear.gather [hbm4b:s10+s5], $0x200, $0x38;
	[tilespmem:$0xD80] =	vst v63  }
0x23: {  	_ =	swait.ge [sflag:s6], $0x200  }
0x24: {  	[sflag:s6] =	ssyncset.done $0x0  }
0x25: {  	[sflag:s6] =	ssyncadd.s32 $0xFFFFFE00  }
0x26: {  	[tilespmem:s18], [sflag:$0x1] =	stream.linear.gather [hbm4b:s11+s5], $0x200, $0x38;
	[tilespmem:$0xD80] =	vst v63  }
0x27: {  	_ =	swait.ge [sflag:s6], $0x200  }
0x28: {  	[sflag:s6] =	ssyncset.done $0x0  }
0x29: {  	[sflag:s6] =	ssyncadd.s32 $0xFFFFFE00  }
0x2a: {  	[tilespmem:s19], [sflag:$0x1] =	stream.linear.gather [hbm4b:s12+s5], $0x200, $0x38;
	[tilespmem:$0xD80] =	vst v63  }
0x2b: {  	_ =	swait.ge [sflag:s6], $0x200  }
0x2c: {  	[sflag:s6] =	ssyncset.done $0x0  }
0x2d: {  	[sflag:s6] =	ssyncadd.s32 $0xFFFFFE00  }
0x2e: {  	[tilespmem:s20], [sflag:$0x1] =	stream.linear.gather [hbm4b:s0+s5], $0x10, $0x38;
	[tilespmem:$0xD80] =	vst v63  }
0x2f: {  	_ =	swait.ge [sflag:s6], $0x10  }
0x30: {  	[sflag:s6] =	ssyncset.done $0x0  }
0x31: {  	[sflag:s6] =	ssyncadd.s32 $0xFFFFFFF0  }
0x32: {  	[tilespmem:s21], [sflag:$0x1] =	stream.linear.gather [hbm4b:s3+s5], $0x10, $0x38;
	[tilespmem:$0xD80] =	vst v63  }
0x33: {  	_ =	swait.ge [sflag:s6], $0x10  }
0x34: {  	[sflag:s6] =	ssyncset.done $0x0  }
0x35: {  	[sflag:s6] =	ssyncadd.s32 $0xFFFFFFF0  }
0x36: {  	[tilespmem:s22], [sflag:$0x1] =	stream.linear.gather [hbm4b:s4+s5], $0x10, $0x38;
	[tilespmem:$0xD80] =	vst v63  }
0x37: {  	_ =	swait.ge [sflag:s6], $0x10  }
0x38: {  	[sflag:s6] =	ssyncset.done $0x0  }
0x39: {  	[sflag:s6] =	ssyncadd.s32 $0xFFFFFFF0  }
0x3a: {  	v6 =	vld [tilespmem:$0xC20];
	_ =	sdelay $0x4  }
0x3b: {  	v6 =	vperm.xlane v6, v0;
	_ =	sdelay $0x1  }
0x3c: {  	v6 =	vmul.f32 $8.726646190e-03, v6;
	_ =	sdelay $0x1  }
0x3d: {  	v7 =	vmul.f32 v6, v6;
	_ =	sdelay $0x1  }
0x3e: {  	v8 =	vmul.f32 $2.755731880e-06, v7;
	_ =	sdelay $0x1  }
0x3f: {  	v8 =	vadd.f32 $-1.984127010e-04, v8;
	_ =	sdelay $0x1  }
0x40: {  	v8 =	vmul.f32 v8, v7;
	_ =	sdelay $0x1  }
0x41: {  	v8 =	vadd.f32 $8.333333770e-03, v8;
	_ =	sdelay $0x1  }
0x42: {  	v8 =	vmul.f32 v8, v7;
	_ =	sdelay $0x1  }
0x43: {  	v8 =	vadd.f32 $-1.666666720e-01, v8;
	_ =	sdelay $0x1  }
0x44: {  	v7 =	vmul.f32 v8, v7  }
0x45: {  	v8 =	vld [tilespmem:$0xC10]  }
0x46: {  	v7 =	vadd.f32 $1.000000000e+00, v7  }
0x47: {  	s25 =	sand.u32 $0x1F0, s5;
	v9 =	vld [tilespmem:s5+$0x0]  }
0x48: {  	v10 =	vld [tilespmem:s25+$0x600];
	v6 =	vmul.f32 v7, v6  }
0x49: {  	v11 =	vld [tilespmem:s25+$0x200]  }
0x4a: {  	v12 =	vperm.xlane v8, v0;
	v8 =	vld [tilespmem:s25+$0x800];
	v6 =	vadd.f32 v6, v6;
	_ =	sdelay $0x1  }
0x4b: {  	v13 =	vld [tilespmem:s25+$0x400];
	v7 =	vmul.f32 v6, v6  }
0x4c: {  	v14 =	vld [tilespmem:s25+$0xA00];
	v6 =	vsub.f32 $0.0e+00, v12  }
0x4d: {  	v9 =	vsub.f32 v9, v10;
	(erf) = vrcp.f32 v7  }
0x4e: {  	v15 =	vmul.f32 $1.442695020e+00, v6;
	v8 =	vsub.f32 v11, v8  }
0x4f: {  	v9 =	vmul.f32 v9, v9  }
0x50: {  	(erf) = vpow2.f32 v15;
	v8 =	vmul.f32 v8, v8  }
0x51: {  	v10 =	vsub.f32 v13, v14  }
0x52: {  	v8 =	vadd.f32 v8, v9  }
0x53: {  	v9 =	vmul.f32 v10, v10;
	_ =	sdelay $0x1  }
0x54: {  	v9 =	vadd.f32 v9, v8  }
0x55: {  	s29 =	simm.s32 $0x10;
	v8 =	vpop (erf)  }
0x56: {  	v13 =	vld [tilespmem:s29+$0x0];
	s25 =	sand.u32 $0x1F0, s29;
	v10 =	vmul.f32 v9, v8  }
0x57: {  	v14 =	vld [tilespmem:s25+$0x600];
	vm1 =	vlt.f32 v9, v7  }
0x58: {  	v16 =	vld [tilespmem:s25+$0x400];
	v9 =	vpop (erf);
	v10 =	vnsel vm1, $0x0, v10  }
0x59: {  	v17 =	vld [tilespmem:s25+$0xA00];
	v9 =	vsub.f32 $1.000000000e+00, v9;
	v10 =	vmul.f32 v10, v6  }
0x5a: {  	v15 =	vld [tilespmem:s25+$0x200]  }
0x5b: {  	(erf) = vrcp.f32 v9;
	v9 =	vld [tilespmem:s25+$0x800];
	v10 =	vmul.f32 $1.442695020e+00, v10  }
0x5c: {  	v11 =	vld [tilespmem:$0xC00]  }
0x5d: {  	(erf) = vpow2.f32 v10;
	_ =	sdelay $0x1  }
0x5e: {  	v10 =	vsub.f32 v13, v14  }
0x5f: {  	v13 =	vsub.f32 v16, v17;
	v9 =	vsub.f32 v15, v9  }
0x60: {  	v11 =	vperm.xlane v11, v0;
	v10 =	vmul.f32 v10, v10  }
0x61: {  	v13 =	vmul.f32 v13, v13;
	v9 =	vmul.f32 v9, v9  }
0x62: {  	v12 =	vmul.f32 v12, v11  }
0x63: {  	v14 =	vpop (erf);
	v9 =	vadd.f32 v9, v10  }
0x64: {  	v10 =	vmul.f32 v14, v12  }
0x65: {  	v12 =	vadd.f32 v13, v9;
	v13 =	vpop (erf)  }
0x66: {  	s30 =	simm.s32 $0x20;
	v9 =	vsub.f32 $1.000000000e+00, v11;
	v13 =	vmul.f32 v13, v10  }
0x67: {  	s25 =	sand.u32 $0x1F0, s30  }
0x68: {  	v18 =	vld [tilespmem:s25+$0x800];
	v11 =	vmul.f32 v12, v8;
	v14 =	vadd.f32 v13, v9  }
0x69: {  	v17 =	vld [tilespmem:s25+$0x200];
	vm2 =	vlt.f32 v12, v7  }
0x6a: {  	v15 =	vld [tilespmem:s25+$0x600];
	v11 =	vnsel vm2, $0x0, v11;
	v16 =	vand.u32 $0x7FFFFF, v14  }
0x6b: {  	v12 =	vld [tilespmem:s30+$0x0];
	v11 =	vmul.f32 v11, v6;
	v16 =	vor.u32 $0x3F800000, v16  }
0x6c: {  	v19 =	vmul.f32 $5.000000000e-01, v16  }
0x6d: {  	v20 =	vld [tilespmem:s25+$0x400];
	v11 =	vmul.f32 $1.442695020e+00, v11;
	vm3 =	vgt.f32 v16, $1.414213540e+00  }
0x6e: {  	v21 =	vld [tilespmem:s25+$0xA00];
	v16 =	vsel vm3, v19, v16  }
0x6f: {  	(erf) = vpow2.f32 v11;
	v11 =	vadd.f32 $1.000000000e+00, v16  }
0x70: {  	v12 =	vsub.f32 v12, v15;
	v15 =	vsub.f32 v17, v18  }
0x71: {  	(erf) = vrcp.f32 v11  }
0x72: {  	v11 =	vmul.f32 v12, v12;
	v12 =	vmul.f32 v15, v15  }
0x73: {  	v15 =	vsub.f32 v20, v21  }
0x74: {  	v11 =	vadd.f32 v12, v11  }
0x75: {  	v12 =	vmul.f32 v15, v15;
	_ =	sdelay $0x1  }
0x76: {  	s31 =	simm.s32 $0x30;
	v12 =	vadd.f32 v12, v11  }
0x77: {  	s25 =	sand.u32 $0x1F0, s31;
	v11 =	vpop (erf)  }
0x78: {  	v18 =	vld [tilespmem:s25+$0x600];
	v17 =	vmul.f32 v12, v8;
	v11 =	vmul.f32 v11, v10  }
0x79: {  	v19 =	vld [tilespmem:s25+$0x200];
	v16 =	vadd.f32 $-1.000000000e+00, v16;
	vm6 =	vlt.f32 v12, v7  }
0x7a: {  	v21 =	vld [tilespmem:s25+$0x800];
	(erf) = vrcp.f32 v14;
	v17 =	vnsel vm6, $0x0, v17;
	v12 =	vadd.f32 v11, v9  }
0x7b: {  	v15 =	vld [tilespmem:s31+$0x0];
	v20 =	vpop (erf);
	v17 =	vmul.f32 v17, v6  }
0x7c: {  	v16 =	vmul.f32 v20, v16;
	v20 =	vand.u32 $0x7FFFFF, v12  }
0x7d: {  	v22 =	vld [tilespmem:s25+$0x400];
	v17 =	vmul.f32 $1.442695020e+00, v17;
	v20 =	vor.u32 $0x3F800000, v20  }
0x7e: {  	vm1 =	vmmov vm1;
	v24 =	vld [tilespmem:s25+$0xA00];
	v23 =	vmul.f32 v16, v16;
	v25 =	vmul.f32 $5.000000000e-01, v20  }
0x7f: {  	v19 =	vsub.f32 v19, v21;
	vm4 =	vgt.f32 v20, $1.414213540e+00;
	(erf) = vpow2.f32 v17  }
0x80: {  	v15 =	vsub.f32 v15, v18;
	v18 =	vmul.f32 $1.111111120e-01, v23;
	v17 =	vsel vm4, v25, v20  }
0x81: {  	vm1 =	vmmov vm1;
	v20 =	vadd.f32 $1.000000000e+00, v17  }
0x82: {  	vm5 =	vmmov vm1;
	v19 =	vmul.f32 v19, v19;
	v18 =	vadd.f32 $1.428571490e-01, v18  }
0x83: {  	v22 =	vsub.f32 v22, v24;
	v15 =	vmul.f32 v15, v15;
	v21 =	vpop (erf);
	(erf) = vrcp.f32 v20  }
0x84: {  	vm2 =	vmmov vm2;
	v13 =	vmul.f32 v21, v13;
	v18 =	vmul.f32 v18, v23  }
0x85: {  	vm1 =	vmmov vm2;
	v15 =	vadd.f32 v19, v15;
	v19 =	vmul.f32 v22, v22  }
0x86: {  	vm7 =	vmmov vm3;
	vm3 =	vgt.f32 v13, $9.499999880e-01;
	v18 =	vadd.f32 $2.000000030e-01, v18  }
0x87: {  	v15 =	vadd.f32 v19, v15;
	(erf) = vrcp.f32 v12;
	vm3 =	vmand vm5, vm3  }
0x88: {  	v19 =	vshra.s32 v14, $0x17;
	v14 =	vnsel vm3, $0x0, v13;
	v18 =	vmul.f32 v18, v23;
	v13 =	vpop (erf)  }
0x89: {  	s25 =	simm.s32 $0x40;
	v19 =	vadd.s32 $0xFFFFFF81, v19;
	v20 =	vmul.f32 v15, v8;
	v13 =	vmul.f32 v13, v10  }
0x8a: {  	s28 =	sand.u32 $0x1F0, s25;
	v19 =	vcvt.s32.f32 v19;
	vm3 =	vlt.f32 v15, v7;
	v18 =	vadd.f32 $3.333333430e-01, v18  }
0x8b: {  	v25 =	vld [tilespmem:s28+$0x600];
	v17 =	vadd.f32 $-1.000000000e+00, v17;
	v20 =	vnsel vm3, $0x0, v20;
	v15 =	vadd.f32 v13, v9  }
0x8c: {  	v29 =	vmul.f32 v20, v6;
	v21 =	vmul.f32 v18, v23;
	v23 =	vld [tilespmem:s25+$0x0];
	v18 =	vsel vm7, $0x3F800000, v1;
	v22 =	vpop (erf)  }
0x8d: {  	v19 =	vadd.f32 v19, v18;
	v20 =	vand.u32 $0x7FFFFF, v15;
	v18 =	vmul.f32 v22, v17  }
0x8e: {  	v24 =	vld [tilespmem:s28+$0x200];
	vm2 =	vmmov vm6;
	v16 =	vadd.f32 v16, v16;
	v17 =	vadd.f32 $1.000000000e+00, v21  }
0x8f: {  	v27 =	vld [tilespmem:s28+$0x800];
	v26 =	vor.u32 $0x3F800000, v20;
	v21 =	vmul.f32 $6.931471820e-01, v19;
	v19 =	vmul.f32 v18, v18  }
0x90: {  	s26 =	simm.s32 $0x50;
	v28 =	vld [tilespmem:s28+$0x400];
	v20 =	vpop (erf);
	v22 =	vmul.f32 v17, v16;
	v17 =	vimm.f32 $0.0e+00;
	v16 =	vimm.f32 $0.0e+00  }
.LBB2_2:
0x91: {  	v23 =	vsub.f32 v23, v25  }
0x92: {  	p0 =	sne.s32 s26, $0x1F0;
	v25 =	vld [tilespmem:s28+$0xA00];
	v29 =	vmul.f32 $1.442695020e+00, v29;
	v30 =	vmul.f32 $5.000000000e-01, v26;
	vm6 =	vmmov vm4  }
0x93: {  	vm4 =	vgt.f32 v26, $1.414213540e+00;
	v31 =	vmul.f32 $1.111111120e-01, v19;
	v21 =	vadd.f32 v22, v21  }
0x94: {  	v22 =	vsub.f32 v24, v27;
	(erf) = vpow2.f32 v29;
	v24 =	vsel vm4, v30, v26  }
0x95: {  	v26 =	vadd.f32 $1.000000000e+00, v24;
	v27 =	vadd.f32 $1.428571490e-01, v31;
	v21 =	vnsel vm5, $0x0, v21  }
0x96: {  	v23 =	vmul.f32 v23, v23;
	v22 =	vmul.f32 v22, v22;
	v17 =	vadd.f32 v21, v17  }
0x97: {  	v21 =	vsub.f32 v28, v25;
	(erf) = vrcp.f32 v26;
	v25 =	vmul.f32 v27, v19  }
0x98: {  	v20 =	vmul.f32 v20, v11;
	v16 =	vadd.f32 v14, v16;
	v11 =	vmovc v13;
	(erf) = vrcp.f32 v15  }
0x99: {  	v13 =	vadd.f32 v22, v23;
	v14 =	vmul.f32 v21, v21;
	v21 =	vadd.f32 $2.000000030e-01, v25  }
0x9a: {  	vm7 =	vgt.f32 v20, $9.499999880e-01;
	vm5 =	vmmov vm1;
	vm1 =	vmmov vm2  }
0x9b: {  	vm2 =	vmand vm5, vm7;
	v13 =	vadd.f32 v14, v13;
	v21 =	vmul.f32 v21, v19  }
0x9c: {  	v22 =	vshra.s32 v12, $0x17;
	v12 =	vmovc v15;
	v14 =	vnsel vm2, $0x0, v20;
	vm2 =	vmmov vm3  }
0x9d: {  	s25 =	sadd.s32 $0x10, s25;
	v22 =	vadd.s32 $0xFFFFFF81, v22;
	v15 =	vmul.f32 v13, v8;
	v20 =	vpop (erf);
	v21 =	vadd.f32 $3.333333430e-01, v21  }
0x9e: {  	s28 =	sand.u32 $0x1F0, s26;
	v29 =	vcvt.s32.f32 v22;
	vm3 =	vlt.f32 v13, v7;
	v23 =	vld [tilespmem:s25+$0x0];
	v13 =	vmul.f32 v20, v10  }
.Ltmp0:
0x9f: {  	v26 =	vsel vm6, $0x3F800000, v1;
	v22 =	vadd.f32 $-1.000000000e+00, v24;
	v25 =	vld [tilespmem:s28+$0x600];
	v19 =	vmul.f32 v21, v19;
	(pc) =	sbr.rel @p0 .LBB2_2-.Ltmp0, $4  }
0xa0: {  	v26 =	vadd.f32 v29, v26;
	v21 =	vnsel vm3, $0x0, v15;
	v24 =	vld [tilespmem:s28+$0x200];
	v15 =	vadd.f32 v13, v9;
	v28 =	vpop (erf)  }
0xa1: {  	v31 =	vadd.f32 v18, v18;
	v27 =	vld [tilespmem:s28+$0x800];
	v20 =	vpop (erf);
	v30 =	vadd.f32 $1.000000000e+00, v19;
	v18 =	vmul.f32 v28, v22  }
0xa2: {  	v29 =	vmul.f32 v21, v6;
	v21 =	vmul.f32 $6.931471820e-01, v26;
	v19 =	vand.u32 $0x7FFFFF, v15  }
0xa3: {  	s26 =	sadd.s32 $0x10, s26;
	v28 =	vld [tilespmem:s28+$0x400];
	v26 =	vor.u32 $0x3F800000, v19;
	v19 =	vmul.f32 v18, v18;
	v22 =	vmul.f32 v30, v31  }
0xa4: {  	v30 =	vld [tilespmem:s28+$0xA00];
	_ =	sdelay $0x2  }
0xa5: {  	v23 =	vsub.f32 v23, v25;
	v24 =	vsub.f32 v24, v27;
	_ =	sdelay $0x1  }
0xa6: {  	v23 =	vmul.f32 v23, v23;
	v24 =	vmul.f32 v24, v24;
	v51 =	vsub.f32 v28, v30;
	_ =	sdelay $0x1  }
0xa7: {  	v23 =	vadd.f32 v24, v23;
	v52 =	vmul.f32 v51, v51;
	_ =	sdelay $0x1  }
0xa8: {  	v23 =	vadd.f32 v52, v23;
	_ =	sdelay $0x1  }
0xa9: {  	v53 =	vmul.f32 $5.000000000e-01, v26;
	v8 =	vmul.f32 v23, v8  }
0xaa: {  	vm8 =	vgt.f32 v26, $1.414213540e+00;
	vm6 =	vlt.f32 v23, v7  }
0xab: {  	v54 =	vsel vm8, v53, v26;
	v7 =	vmul.f32 $1.442695020e+00, v29;
	v8 =	vnsel vm6, $0x0, v8  }
0xac: {  	v24 =	vadd.f32 $1.000000000e+00, v54;
	v6 =	vmul.f32 v8, v6  }
0xad: {  	(erf) = vpow2.f32 v7  }
0xae: {  	(erf) = vrcp.f32 v24;
	v6 =	vmul.f32 $1.442695020e+00, v6  }
0xaf: {  	(erf) = vrcp.f32 v15  }
0xb0: {  	(erf) = vpow2.f32 v6;
	_ =	sdelay $0x5  }
0xb1: {  	v7 =	vpop (erf)  }
0xb2: {  	v55 =	vpop (erf)  }
0xb3: {  	v7 =	vmul.f32 v7, v10;
	v56 =	vpop (erf)  }
0xb4: {  	v58 =	vpop (erf)  }
0xb5: {  	v6 =	vmul.f32 $1.111111120e-01, v19;
	v57 =	vadd.f32 v7, v9;
	v10 =	vmul.f32 v58, v10  }
0xb6: {  	vm9 =	vmmov vm4;
	v12 =	vshra.s32 v12, $0x17;
	v18 =	vadd.f32 v18, v18  }
0xb7: {  	v6 =	vadd.f32 $1.428571490e-01, v6;
	v59 =	vand.u32 $0x7FFFFF, v57;
	v60 =	vadd.f32 v10, v9  }
0xb8: {  	v11 =	vmul.f32 v20, v11;
	vm1 =	vmmov vm1;
	v26 =	vor.u32 $0x3F800000, v59  }
0xb9: {  	v6 =	vmul.f32 v6, v19;
	v61 =	vmul.f32 $5.000000000e-01, v26;
	v62 =	vand.u32 $0x7FFFFF, v60  }
0xba: {  	v23 =	vadd.f32 $-1.000000000e+00, v54;
	vm7 =	vgt.f32 v26, $1.414213540e+00;
	v63 =	vor.u32 $0x3F800000, v62  }
0xbb: {  	v6 =	vadd.f32 $2.000000030e-01, v6;
	v26 =	vsel vm7, v61, v26;
	v33 =	vmul.f32 $5.000000000e-01, v63  }
0xbc: {  	v14 =	vadd.f32 v14, v16;
	v32 =	vadd.f32 $1.000000000e+00, v26;
	vm13 =	vgt.f32 v63, $1.414213540e+00  }
0xbd: {  	v8 =	vmul.f32 v55, v23;
	v6 =	vmul.f32 v6, v19;
	v34 =	vsel vm13, v33, v63  }
0xbe: {  	v12 =	vadd.s32 $0xFFFFFF81, v12;
	(erf) = vrcp.f32 v32;
	v37 =	vadd.f32 $1.000000000e+00, v34  }
0xbf: {  	v36 =	vmul.f32 v8, v8;
	v6 =	vadd.f32 $3.333333430e-01, v6;
	(erf) = vrcp.f32 v57  }
0xc0: {  	v21 =	vadd.f32 v22, v21;
	v12 =	vcvt.s32.f32 v12;
	(erf) = vrcp.f32 v37  }
0xc1: {  	v35 =	vsel vm9, $0x3F800000, v1;
	v38 =	vmul.f32 $1.111111120e-01, v36;
	v6 =	vmul.f32 v6, v19  }
0xc2: {  	vm14 =	vgt.f32 v11, $9.499999880e-01;
	v40 =	vnsel vm5, $0x0, v21;
	v12 =	vadd.f32 v12, v35  }
0xc3: {  	vm5 =	vmand vm1, vm14;
	v39 =	vadd.f32 $1.428571490e-01, v38;
	v6 =	vadd.f32 $1.000000000e+00, v6  }
0xc4: {  	v45 =	vshra.s32 v15, $0x17;
	v11 =	vnsel vm5, $0x0, v11;
	v12 =	vmul.f32 $6.931471820e-01, v12  }
0xc5: {  	v17 =	vadd.f32 v40, v17;
	v41 =	vmul.f32 v39, v36;
	v6 =	vmul.f32 v6, v18  }
0xc6: {  	v11 =	vadd.f32 v11, v14;
	v15 =	vadd.s32 $0xFFFFFF81, v45;
	v42 =	vadd.f32 $-1.000000000e+00, v26  }
0xc7: {  	v48 =	vcvt.s32.f32 v15;
	v6 =	vadd.f32 v6, v12;
	v12 =	vadd.f32 $2.000000030e-01, v41;
	v43 =	vpop (erf)  }
0xc8: {  	v13 =	vmul.f32 v56, v13;
	v19 =	vadd.f32 $-1.000000000e+00, v34;
	v16 =	vmul.f32 v43, v42;
	v44 =	vpop (erf)  }
0xc9: {  	v8 =	vadd.f32 v8, v8;
	v9 =	vshra.s32 v60, $0x17;
	v12 =	vmul.f32 v12, v36;
	v47 =	vpop (erf)  }
0xca: {  	v9 =	vadd.s32 $0xFFFFFF81, v9;
	v46 =	vmul.f32 v16, v16;
	v19 =	vmul.f32 v47, v19  }
0xcb: {  	v55 =	vshra.s32 v57, $0x17;
	v9 =	vcvt.s32.f32 v9;
	v6 =	vnsel vm1, $0x0, v6  }
0xcc: {  	v12 =	vadd.f32 $3.333333430e-01, v12;
	v49 =	vmul.f32 $1.111111120e-01, v46;
	v51 =	vmul.f32 v19, v19  }
0xcd: {  	vm1 =	vmmov vm2;
	vm2 =	vmmov vm3;
	vm3 =	vmmov vm8  }
0xce: {  	v12 =	vmul.f32 v12, v36;
	v15 =	vadd.f32 $1.428571490e-01, v49;
	v52 =	vmul.f32 $1.111111120e-01, v51  }
0xcf: {  	v6 =	vadd.f32 v6, v17;
	v50 =	vsel vm3, $0x3F800000, v1;
	vm3 =	vgt.f32 v13, $9.499999880e-01  }
0xd0: {  	v12 =	vadd.f32 $1.000000000e+00, v12;
	v15 =	vmul.f32 v15, v46;
	v53 =	vadd.f32 $1.428571490e-01, v52  }
0xd1: {  	vm15 =	vmmov vm1;
	vm1 =	vmmov vm2;
	v14 =	vadd.f32 v48, v50  }
0xd2: {  	v8 =	vmul.f32 v12, v8;
	v15 =	vadd.f32 $2.000000030e-01, v15;
	v12 =	vmul.f32 v53, v51  }
0xd3: {  	vm2 =	vmand vm15, vm3;
	vm3 =	vmmov vm7;
	v14 =	vmul.f32 $6.931471820e-01, v14  }
0xd4: {  	vm1 =	vmmov vm1;
	v54 =	vmul.f32 v15, v46;
	v12 =	vadd.f32 $2.000000030e-01, v12  }
0xd5: {  	v13 =	vnsel vm2, $0x0, v13;
	(erf) = vrcp.f32 v60;
	v8 =	vadd.f32 v8, v14  }
0xd6: {  	v57 =	vsel vm3, $0x3F800000, v1;
	v14 =	vadd.f32 $3.333333430e-01, v54;
	v12 =	vmul.f32 v12, v51  }
0xd7: {  	vm3 =	vmmov vm13;
	v8 =	vnsel vm15, $0x0, v8;
	v15 =	vadd.s32 $0xFFFFFF81, v55  }
0xd8: {  	v56 =	vcvt.s32.f32 v15;
	v14 =	vmul.f32 v14, v46;
	v12 =	vadd.f32 $3.333333430e-01, v12  }
0xd9: {  	v59 =	vsel vm3, $0x3F800000, v1;
	v58 =	vadd.f32 v16, v16;
	v6 =	vadd.f32 v8, v6  }
0xda: {  	v8 =	vadd.f32 v56, v57;
	v14 =	vadd.f32 $1.000000000e+00, v14;
	v12 =	vmul.f32 v12, v51  }
0xdb: {  	vm2 =	vmmov vm6;
	v9 =	vadd.f32 v9, v59;
	v60 =	vadd.f32 v19, v19  }
0xdc: {  	v8 =	vmul.f32 $6.931471820e-01, v8;
	v14 =	vmul.f32 v14, v58;
	v12 =	vadd.f32 $1.000000000e+00, v12  }
0xdd: {  	v11 =	vadd.f32 v13, v11;
	vm2 =	vmmov vm2;
	v7 =	vmul.f32 v44, v7  }
0xde: {  	v9 =	vmul.f32 $6.931471820e-01, v9;
	v61 =	vpop (erf);
	v8 =	vadd.f32 v14, v8;
	v12 =	vmul.f32 v12, v60  }
0xdf: {  	vm2 =	vmmov vm2;
	vm3 =	vgt.f32 v7, $9.499999880e-01;
	v10 =	vmul.f32 v61, v10  }
0xe0: {  	vm3 =	vmand vm1, vm3;
	v8 =	vnsel vm1, $0x0, v8;
	v9 =	vadd.f32 v12, v9  }
0xe1: {  	v7 =	vnsel vm3, $0x0, v7;
	vm1 =	vgt.f32 v10, $9.499999880e-01;
	v6 =	vadd.f32 v8, v6  }
0xe2: {  	v7 =	vadd.f32 v7, v11;
	vm1 =	vmand vm2, vm1;
	v62 =	vnsel vm2, $0x0, v9  }
0xe3: {  	v63 =	vnsel vm1, $0x0, v10;
	v6 =	vadd.f32 v62, v6  }
0xe4: {  	v7 =	vadd.f32 v63, v7  }
0xe5: {  	v8 =	vperm.xlane v6, v2  }
0xe6: {  	v9 =	vperm.xlane v7, v2  }
0xe7: {  	v6 =	vadd.f32 v8, v6  }
0xe8: {  	v7 =	vadd.f32 v9, v7  }
0xe9: {  	v8 =	vperm.xlane v6, v3  }
0xea: {  	v9 =	vperm.xlane v7, v3  }
0xeb: {  	v6 =	vadd.f32 v8, v6  }
0xec: {  	v7 =	vadd.f32 v9, v7  }
0xed: {  	v8 =	vperm.xlane v6, v4  }
0xee: {  	v9 =	vperm.xlane v7, v4  }
0xef: {  	v6 =	vadd.f32 v8, v6  }
0xf0: {  	v7 =	vadd.f32 v9, v7  }
0xf1: {  	v8 =	vperm.xlane v6, v5  }
0xf2: {  	v9 =	vperm.xlane v7, v5  }
0xf3: {  	v6 =	vadd.f32 v8, v6  }
0xf4: {  	v7 =	vadd.f32 v9, v7  }
0xf5: {  	s24 =	sadd.s32 $0x1, s24;
	v6 =	vnsel vm0, $0x0, v6  }
0xf6: {  	p0 =	sne.s32 s24, s14;
	[tilespmem:$0xC80] =	vst v6;
	v6 =	vnsel vm0, $0x0, v7  }
.Ltmp1:
0xf7: {  	[tilespmem:$0xD00] =	vst v6;
	(pc) =	sbr.rel @p0 .LBB2_1-.Ltmp1, $4  }
0xf8: {  	[hbm4b:s13+s5] =	stream.linear.scatter [tilespmem:s23], [sflag:$0x1], $0x100, $0x38;
	[tilespmem:$0xD80] =	vst v63  }
0xf9: {  	_ =	swait.ge [sflag:s6], $0x100  }
0xfa: {  	[sflag:s6] =	ssyncset.done $0x0  }
0xfb: {  	[sflag:s6] =	ssyncadd.s32 $0xFFFFFF00  }
0xfc: {  	_ =	sfence.sel $0x180000  }
0xfd: {  	[bflag:$0x0] =	sbarrier.arrive $0xFFFF  }
0xfe: {  	p0 =	sne.s32 s2, $0x0;
	_ =	strace $0x90000047  }
0xff: {  	s0 =	sadd.s32 @!p0 $0x100000, s1;
	[bflag:$0x2] =	sbarrier.arrive $0xFFFF  }
0x100: {  	[sflag:s0] =	ssyncadd.tile.s32 @!p0 $0x1;
	_ =	shalt  }
.Lfunc_end2:
_tile_overlayer_lowered:
.L_overlay_start_2:
0x101: {  	(tag) =	ssettag $0x2  }
0x102: {  	s0 =	rddreg [dreg:$0x0];
	s2 =	stileid.u32  }
0x103: {  	s1 =	rddreg [dreg:$0x1];
	p0 =	sne.s32 s2, $0x0  }
0x104: {  	s3 =	rddreg [dreg:$0x2];
	[bflag:$0x3] =	sbarrier.arrive $0xFFFF;
	s2 =	simm.s32 @!p0 $0x1C01  }
0x105: {  	[timem:s3], [sflag:s2] =	dma.local @!p0 [hbm:s0], s1  }
0x106: {  	s0 =	simm.s32 @!p0 $0x1  }
0x107: {  	_ =	swait.ge @!p0 [sflag:s0], s1  }
0x108: {  	s1 =	ssub.s32 @!p0 $0x0, s1;
	[sflag:s0] =	ssyncset.done @!p0 $0x0  }
0x109: {  	[sflag:s0] =	ssyncadd.s32 @!p0 s1  }
0x10a: {  	[bflag:$0x3] =	sbarrier.arrive $0xFFFF  }
0x10b: {  	_ =	shalt  }

</sc_bundles>
